<compile_context>
chip_gen: v7x
topology: tpu7x:2x2x1
jax: 0.10.2.dev20260603
libtpu: 0.0.44.dev20260713+nightly
codegen_flags: <defaults>
</compile_context>

<pallas_src>
import functools

import jax
import jax.numpy as jnp
from jax import lax
from jax.experimental import pallas as pl
from jax.experimental.pallas import tpu as pltpu
from jax.experimental.pallas import tpu_sc as plsc

_HIDDEN = 256
_LATENT = 32
_K = 512
_RES_N = 2



_T = 8
_ROWS_BLK = 512


def _exact_tree_sum(sq):
    out = None
    for h in (0, 1):
        half = sq[:, 128 * h:128 * h + 128]
        s = half[:, 0:8]
        for j in range(1, 16):
            s = s + half[:, 8 * j:8 * j + 8]
        v = s[:, 0:4] + s[:, 4:8]
        v = v[:, 0:2] + v[:, 2:4]
        v = v[:, 0:1] + v[:, 1:2]
        out = v if out is None else out + v
    return out


def _vq_argmin_body(zf_ref, cbt_ref, cb_ref, idx_ref):
    zf = zf_ref[...]
    cbt = cbt_ref[...]
    cb = cb_ref[...]
    r = zf.shape[0]

    s = jnp.dot(zf, cbt, preferred_element_type=jnp.float32,
                precision=lax.Precision.HIGHEST)
    cbn = jnp.sum(cbt * cbt, axis=0, keepdims=True)
    u = cbn - 2.0 * s
    k_iota = lax.broadcasted_iota(jnp.int32, u.shape, 1)

    cands, dexact = [], []
    for _t in range(_T):
        m = jnp.min(u, axis=1, keepdims=True)
        km = jnp.min(jnp.where(u == m, k_iota, jnp.int32(_K)),
                     axis=1, keepdims=True)
        u = jnp.where(k_iota == km, jnp.float32(jnp.inf), u)
        onehot = (k_iota == km).astype(jnp.float32)
        row = jnp.dot(onehot, cb, preferred_element_type=jnp.float32,
                      precision=lax.Precision.HIGHEST)
        diff = zf - row
        dexact.append(_exact_tree_sum(diff * diff))
        cands.append(km)
    dmat = jnp.concatenate(dexact, axis=1)
    cmat = jnp.concatenate(cands, axis=1)

    md = jnp.min(dmat, axis=1, keepdims=True)
    idx_ref[...] = jnp.min(jnp.where(dmat == md, cmat, jnp.int32(_K)), axis=1)


def _vq_argmin(zf, cb, cbt):
    n, c = zf.shape
    return pl.pallas_call(
        _vq_argmin_body,
        grid=(n // _ROWS_BLK,),
        in_specs=[
            pl.BlockSpec((_ROWS_BLK, c), lambda i: (i, 0)),
            pl.BlockSpec((c, _K), lambda i: (0, 0)),
            pl.BlockSpec((_K, c), lambda i: (0, 0)),
        ],
        out_specs=pl.BlockSpec((_ROWS_BLK,), lambda i: (i,)),
        out_shape=jax.ShapeDtypeStruct((n,), jnp.int32),
    )(zf, cbt, cb)



_NC = 2
_NS = 16
_NW = _NC * _NS


def _make_sc_gather(b, hw):
    w_per_b = _NW // b
    cols = hw // w_per_b
    mesh = plsc.VectorSubcoreMesh(core_axis_name="c", subcore_axis_name="s")

    @functools.partial(
        pl.kernel, mesh=mesh,
        out_type=jax.ShapeDtypeStruct((b, hw, _HIDDEN), jnp.float32),
        scratch_types=[
            pltpu.VMEM((cols,), jnp.int32),
            pltpu.VMEM((cols, _HIDDEN), jnp.float32),
            pltpu.SemaphoreType.DMA,
        ],
    )
    def gather(table_hbm, idx_hbm, out_hbm, idx_v, rows_v, sem):
        wid = lax.axis_index("s") * _NC + lax.axis_index("c")
        bi = wid // w_per_b
        col = (wid % w_per_b) * cols
        pltpu.sync_copy(idx_hbm.at[bi, pl.ds(col, cols)], idx_v)
        pltpu.async_copy(table_hbm.at[idx_v], rows_v, sem).wait()
        pltpu.sync_copy(rows_v, out_hbm.at[bi, pl.ds(col, cols)])

    return gather




def _conv(x, w, b, stride, pad):
    y = lax.conv_general_dilated(x, w, (stride, stride), [(pad, pad), (pad, pad)],
                                 dimension_numbers=('NCHW', 'OIHW', 'NCHW'))
    return y + b[None, :, None, None]


def _deconv(x, w, b, stride, pad):
    wt = jnp.transpose(jnp.flip(w, axis=(2, 3)), (1, 0, 2, 3))
    pp = w.shape[2] - 1 - pad
    y = lax.conv_general_dilated(x, wt, (1, 1), [(pp, pp), (pp, pp)],
                                 lhs_dilation=(stride, stride),
                                 dimension_numbers=('NCHW', 'OIHW', 'NCHW'))
    return y + b[None, :, None, None]


def _res(h, w1, b1, w2, b2):
    r = jax.nn.relu(h)
    r = _conv(r, w1, b1, 1, 1)
    r = jax.nn.relu(r)
    r = _conv(r, w2, b2, 1, 0)
    return h + r


def _enc(x, p):
    h = jax.nn.relu(_conv(x, p['enc_w0'], p['enc_b0'], 2, 1))
    h = jax.nn.relu(_conv(h, p['enc_w1'], p['enc_b1'], 2, 1))
    h = _conv(h, p['enc_w2'], p['enc_b2'], 1, 1)
    for i in range(_RES_N):
        h = _res(h, p['enc_r%d_w1' % i], p['enc_r%d_b1' % i],
                 p['enc_r%d_w2' % i], p['enc_r%d_b2' % i])
    return h


def _dec(zq, p):
    h = _conv(zq, p['dec_w0'], p['dec_b0'], 1, 1)
    for i in range(_RES_N):
        h = _res(h, p['dec_r%d_w1' % i], p['dec_r%d_b1' % i],
                 p['dec_r%d_w2' % i], p['dec_r%d_b2' % i])
    h = jax.nn.relu(_deconv(h, p['dec_tw0'], p['dec_tb0'], 2, 1))
    h = _deconv(h, p['dec_tw1'], p['dec_tb1'], 2, 1)
    return h




def kernel(x, params):
    p = params
    z = _enc(x, p)
    B, C, H, W = z.shape
    n = B * H * W
    zf = jnp.transpose(z.reshape(B, C, H * W), (0, 2, 1)).reshape(n, C)
    cb = p['code_books']
    idx = _vq_argmin(lax.stop_gradient(zf), cb, cb.T).reshape(B, H * W)
    zq_flat = _make_sc_gather(B, H * W)(cb, idx)
    zq = jnp.transpose(zq_flat.reshape(B, _LATENT, _LATENT, C), (0, 3, 1, 2))
    z_st = zq + lax.stop_gradient(z - zq)
    x_pred = _dec(zq, p)
    return (x_pred, z_st, zq)

# --- scband reference (transcript-rebuilt; emitter-appended) ---
"""Pipeline reference for scband-vq-vae-56160992362708 (READ-ONLY COPY).

The authoritative reference and input builder live on the scoring server;
editing this copy changes nothing except your own understanding.
"""

import jax, jax.numpy as jnp
import numpy as np

HIDDEN = 256
IN_CH = 3
INPUT_SIZE = 128
LATENT = 32
K = 512
RES_N = 2
BATCH = 2


def _xavier(key, shape):
    rf = shape[2] * shape[3]
    fan_in = shape[1] * rf
    fan_out = shape[0] * rf
    lim = float(np.sqrt(6.0 / (fan_in + fan_out)))
    return jax.random.uniform(key, shape, minval=-lim, maxval=lim, dtype=jnp.float32)


def setup_inputs(seed: int = 0) -> dict:
    key = jax.random.key(seed)
    ks = jax.random.split(key, 16)
    p = {}
    p['enc_w0'] = _xavier(ks[0], (HIDDEN, IN_CH, 4, 4)); p['enc_b0'] = jnp.zeros((HIDDEN,), jnp.float32)
    p['enc_w1'] = _xavier(ks[1], (HIDDEN, HIDDEN, 4, 4)); p['enc_b1'] = jnp.zeros((HIDDEN,), jnp.float32)
    p['enc_w2'] = _xavier(ks[2], (HIDDEN, HIDDEN, 3, 3)); p['enc_b2'] = jnp.zeros((HIDDEN,), jnp.float32)
    for i in range(RES_N):
        p['enc_r%d_w1' % i] = _xavier(ks[3 + 2 * i], (HIDDEN, HIDDEN, 3, 3)); p['enc_r%d_b1' % i] = jnp.zeros((HIDDEN,), jnp.float32)
        p['enc_r%d_w2' % i] = _xavier(ks[4 + 2 * i], (HIDDEN, HIDDEN, 1, 1)); p['enc_r%d_b2' % i] = jnp.zeros((HIDDEN,), jnp.float32)
    p['dec_w0'] = _xavier(ks[7], (HIDDEN, HIDDEN, 3, 3)); p['dec_b0'] = jnp.zeros((HIDDEN,), jnp.float32)
    for i in range(RES_N):
        p['dec_r%d_w1' % i] = _xavier(ks[8 + 2 * i], (HIDDEN, HIDDEN, 3, 3)); p['dec_r%d_b1' % i] = jnp.zeros((HIDDEN,), jnp.float32)
        p['dec_r%d_w2' % i] = _xavier(ks[9 + 2 * i], (HIDDEN, HIDDEN, 1, 1)); p['dec_r%d_b2' % i] = jnp.zeros((HIDDEN,), jnp.float32)
    p['dec_tw0'] = _xavier(ks[12], (HIDDEN, HIDDEN, 4, 4)); p['dec_tb0'] = jnp.zeros((HIDDEN,), jnp.float32)
    p['dec_tw1'] = _xavier(ks[13], (HIDDEN, IN_CH, 4, 4)); p['dec_tb1'] = jnp.zeros((IN_CH,), jnp.float32)
    p['code_books'] = jax.random.uniform(ks[14], (K, HIDDEN), minval=-1.0 / K, maxval=1.0 / K, dtype=jnp.float32)
    x = jax.random.normal(ks[15], (BATCH, IN_CH, INPUT_SIZE, INPUT_SIZE), dtype=jnp.float32)
    return {'x': x, 'params': p}


def _conv(x, w, b, stride, pad):
    y = jax.lax.conv_general_dilated(x, w, (stride, stride), [(pad, pad), (pad, pad)], dimension_numbers=('NCHW', 'OIHW', 'NCHW'))
    return y + b[None, :, None, None]


def _deconv(x, w, b, stride, pad):
    wt = jnp.transpose(jnp.flip(w, axis=(2, 3)), (1, 0, 2, 3))
    pp = w.shape[2] - 1 - pad
    y = jax.lax.conv_general_dilated(x, wt, (1, 1), [(pp, pp), (pp, pp)], lhs_dilation=(stride, stride), dimension_numbers=('NCHW', 'OIHW', 'NCHW'))
    return y + b[None, :, None, None]


def _res(h, w1, b1, w2, b2):
    r = jax.nn.relu(h)
    r = _conv(r, w1, b1, 1, 1)
    r = jax.nn.relu(r)
    r = _conv(r, w2, b2, 1, 0)
    return h + r


def _encoder(x, p):
    h = jax.nn.relu(_conv(x, p['enc_w0'], p['enc_b0'], 2, 1))
    h = jax.nn.relu(_conv(h, p['enc_w1'], p['enc_b1'], 2, 1))
    h = _conv(h, p['enc_w2'], p['enc_b2'], 1, 1)
    for i in range(RES_N):
        h = _res(h, p['enc_r%d_w1' % i], p['enc_r%d_b1' % i], p['enc_r%d_w2' % i], p['enc_r%d_b2' % i])
    return h


def _decoder(zq, p):
    h = _conv(zq, p['dec_w0'], p['dec_b0'], 1, 1)
    for i in range(RES_N):
        h = _res(h, p['dec_r%d_w1' % i], p['dec_r%d_b1' % i], p['dec_r%d_w2' % i], p['dec_r%d_b2' % i])
    h = jax.nn.relu(_deconv(h, p['dec_tw0'], p['dec_tb0'], 2, 1))
    h = _deconv(h, p['dec_tw1'], p['dec_tb1'], 2, 1)
    return h


def _find_codebook(z, cb):
    B, C, H, W = z.shape
    zf = jnp.transpose(z.reshape(B, C, H * W), (0, 2, 1))
    d = jnp.sum((jax.lax.stop_gradient(zf)[:, :, None, :] - jax.lax.stop_gradient(cb)[None, None, :, :]) ** 2, axis=-1)
    idx = jnp.argmin(d, axis=2)
    zq = jnp.take(cb, idx, axis=0)
    zq = jnp.transpose(zq.reshape(B, LATENT, LATENT, C), (0, 3, 1, 2))
    return zq


def reference(x, params):
    z = _encoder(x, params)
    zq = _find_codebook(jax.lax.stop_gradient(z), params['code_books'])
    z_st = zq + jax.lax.stop_gradient(z - zq)
    x_pred = _decoder(zq, params)
    return (x_pred, z_st, zq)

if __name__ == "__main__":
    import jax
    _d = setup_inputs()
    print(jax.jit(kernel)(*tuple(_d.values())))

</pallas_src>

<mosaic_0001>
#map = affine_map<(d0, d1) -> (0, 0)>
#map1 = affine_map<(d0, d1) -> (0, 0, 0)>
module attributes {stable_mosaic.version = 14 : i64} {
  func.func @gather(%arg0: i32, %arg1: i32, %arg2: memref<512x256xf32, #tpu.memory_space<hbm>>, %arg3: memref<2x1024xi32, #tpu.memory_space<hbm>>, %arg4: memref<2x1024x256xf32, #tpu.memory_space<hbm>>, %arg5: memref<64xi32, #tpu.memory_space<vmem>>, %arg6: memref<64x256xf32, #tpu.memory_space<vmem>>, %arg7: memref<!tpu.dma_semaphore, #tpu.memory_space<semaphore_mem>>) attributes {dimension_semantics = [#tpu.dimension_semantics<core_parallel>, #tpu.dimension_semantics<subcore_parallel>], iteration_bounds = array<i64: 2, 16>, scalar_prefetch = 0 : i64, scratch_operands = 3 : i64, tpu.core_type = #tpu.core_type<sc_vector_subcore>, window_params = [{transform_indices = #map}, {transform_indices = #map}, {transform_indices = #map1}]} {
    %mul3A = arith.constant 2 : i32
    %mul3A_0 = arith.muli %arg1, %mul3A : i32
    %add3A = arith.addi %mul3A_0, %arg0 : i32
    %jit3A = arith.constant 16 : i32
    %div3A = arith.divsi %add3A, %jit3A : i32
    %sign3A = arith.constant 0 : i32
    %sign3A_1 = arith.cmpi sgt, %add3A, %sign3A : i32
    %sign3A_2 = arith.extui %sign3A_1 : i1 to i32
    %sign3A_3 = arith.constant 0 : i32
    %sign3A_4 = arith.cmpi slt, %add3A, %sign3A_3 : i32
    %sign3A_5 = arith.extui %sign3A_4 : i1 to i32
    %sign3A_6 = arith.subi %sign3A_2, %sign3A_5 : i32
    %sign3A_7 = arith.constant 0 : i32
    %sign3A_8 = arith.cmpi sgt, %jit3A, %sign3A_7 : i32
    %sign3A_9 = arith.extui %sign3A_8 : i1 to i32
    %sign3A_10 = arith.constant 0 : i32
    %sign3A_11 = arith.cmpi slt, %jit3A, %sign3A_10 : i32
    %sign3A_12 = arith.extui %sign3A_11 : i1 to i32
    %sign3A_13 = arith.subi %sign3A_9, %sign3A_12 : i32
    %ne3A = arith.cmpi ne, %sign3A_6, %sign3A_13 : i32
    %rem3A = arith.remsi %add3A, %jit3A : i32
    %ne3A_14 = arith.constant 0 : i32
    %ne3A_15 = arith.cmpi ne, %rem3A, %ne3A_14 : i32
    %and3A = arith.andi %ne3A, %ne3A_15 : i1
    %sub3A = arith.constant 1 : i32
    %sub3A_16 = arith.subi %div3A, %sub3A : i32
    %select_n3A = arith.select %and3A, %sub3A_16, %div3A : i32
    %jit3A_17 = arith.constant 16 : i32
    %eq3A = arith.constant 0 : i32
    %eq3A_18 = arith.cmpi eq, %jit3A_17, %eq3A : i32
    %jit3A_19 = arith.constant 1 : i32
    %select_n3A_20 = arith.select %eq3A_18, %jit3A_19, %jit3A_17 : i32
    %rem3A_21 = arith.remsi %add3A, %select_n3A_20 : i32
    %ne3A_22 = arith.constant 0 : i32
    %ne3A_23 = arith.cmpi ne, %rem3A_21, %ne3A_22 : i32
    %lt3A = arith.constant 0 : i32
    %lt3A_24 = arith.cmpi slt, %rem3A_21, %lt3A : i32
    %lt3A_25 = arith.constant 0 : i32
    %lt3A_26 = arith.cmpi slt, %select_n3A_20, %lt3A_25 : i32
    %ne3A_27 = arith.xori %lt3A_24, %lt3A_26 : i1
    %and3A_28 = arith.andi %ne3A_27, %ne3A_23 : i1
    %add3A_29 = arith.addi %rem3A_21, %select_n3A_20 : i32
    %select_n3A_30 = arith.select %and3A_28, %add3A_29, %rem3A_21 : i32
    %mul3A_31 = arith.constant 64 : i32
    %mul3A_32 = arith.muli %select_n3A_30, %mul3A_31 : i32
    "tpu.region"() ({
      %run_scoped3A = tpu.sem_alloc : memref<!tpu.dma_semaphore, #tpu.memory_space<semaphore_mem>>
      %dma_start3A_37 = tpu.memref_slice %arg3[%select_n3A, %mul3A_32] : memref<2x1024xi32, #tpu.memory_space<hbm>> -> memref<1x64xi32, #tpu.memory_space<hbm>>
      %dma_start3A_38 = tpu.memref_squeeze %dma_start3A_37 : memref<1x64xi32, #tpu.memory_space<hbm>> -> memref<64xi32, #tpu.memory_space<hbm>>
      %dma_start3A_39 = tpu.memref_slice %arg3[%select_n3A, %mul3A_32] : memref<2x1024xi32, #tpu.memory_space<hbm>> -> memref<1x64xi32, #tpu.memory_space<hbm>>
      %dma_start3A_40 = tpu.memref_squeeze %dma_start3A_39 : memref<1x64xi32, #tpu.memory_space<hbm>> -> memref<64xi32, #tpu.memory_space<hbm>>
      tpu.enqueue_dma source(%dma_start3A_40 : memref<64xi32, #tpu.memory_space<hbm>>) target(%arg5 : memref<64xi32, #tpu.memory_space<vmem>>) target_semaphore(%run_scoped3A : memref<!tpu.dma_semaphore, #tpu.memory_space<semaphore_mem>>)
      %dma_wait3A_41 = tpu.memref_slice %arg3[%select_n3A, %mul3A_32] : memref<2x1024xi32, #tpu.memory_space<hbm>> -> memref<1x64xi32, #tpu.memory_space<hbm>>
      %dma_wait3A_42 = tpu.memref_squeeze %dma_wait3A_41 : memref<1x64xi32, #tpu.memory_space<hbm>> -> memref<64xi32, #tpu.memory_space<hbm>>
      %dma_wait3A_43 = tpu.memref_slice %arg3[%select_n3A, %mul3A_32] : memref<2x1024xi32, #tpu.memory_space<hbm>> -> memref<1x64xi32, #tpu.memory_space<hbm>>
      %dma_wait3A_44 = tpu.memref_squeeze %dma_wait3A_43 : memref<1x64xi32, #tpu.memory_space<hbm>> -> memref<64xi32, #tpu.memory_space<hbm>>
      tpu.wait_dma2 semaphore(%run_scoped3A : memref<!tpu.dma_semaphore, #tpu.memory_space<semaphore_mem>>) src(%dma_wait3A_44 : memref<64xi32, #tpu.memory_space<hbm>>) dst(%arg5 : memref<64xi32, #tpu.memory_space<vmem>>)
      tpu.yield
    }) : () -> ()
    %dma_start3A = arith.constant 0 : i32
    %dma_start3A_33 = arith.constant 0 : i32
    %dma_start3A_34 = tpu.memref_slice %arg2[%dma_start3A, %dma_start3A_33] : memref<512x256xf32, #tpu.memory_space<hbm>> -> memref<512x256xf32, #tpu.memory_space<hbm>>
    tpu.enqueue_indirect_dma source(%dma_start3A_34 : memref<512x256xf32, #tpu.memory_space<hbm>>) target(%arg6 : memref<64x256xf32, #tpu.memory_space<vmem>>) offsets(%arg5 : memref<64xi32, #tpu.memory_space<vmem>>) semaphore(%arg7 : memref<!tpu.dma_semaphore, #tpu.memory_space<semaphore_mem>>)
    %dma_wait3A = arith.constant 0 : i32
    %dma_wait3A_35 = arith.constant 0 : i32
    %dma_wait3A_36 = tpu.memref_slice %arg2[%dma_wait3A, %dma_wait3A_35] : memref<512x256xf32, #tpu.memory_space<hbm>> -> memref<512x256xf32, #tpu.memory_space<hbm>>
    tpu.wait_indirect_dma semaphore(%arg7 : memref<!tpu.dma_semaphore, #tpu.memory_space<semaphore_mem>>) src(%dma_wait3A_36 : memref<512x256xf32, #tpu.memory_space<hbm>>) dst(%arg6 : memref<64x256xf32, #tpu.memory_space<vmem>>)
    "tpu.region"() ({
      %run_scoped3A = tpu.sem_alloc : memref<!tpu.dma_semaphore, #tpu.memory_space<semaphore_mem>>
      %dma_start3A_37 = arith.constant 0 : i32
      %dma_start3A_38 = tpu.memref_slice %arg4[%select_n3A, %mul3A_32, %dma_start3A_37] : memref<2x1024x256xf32, #tpu.memory_space<hbm>> -> memref<1x64x256xf32, #tpu.memory_space<hbm>>
      %dma_start3A_39 = tpu.memref_squeeze %dma_start3A_38 : memref<1x64x256xf32, #tpu.memory_space<hbm>> -> memref<64x256xf32, #tpu.memory_space<hbm>>
      %dma_start3A_40 = arith.constant 0 : i32
      %dma_start3A_41 = tpu.memref_slice %arg4[%select_n3A, %mul3A_32, %dma_start3A_40] : memref<2x1024x256xf32, #tpu.memory_space<hbm>> -> memref<1x64x256xf32, #tpu.memory_space<hbm>>
      %dma_start3A_42 = tpu.memref_squeeze %dma_start3A_41 : memref<1x64x256xf32, #tpu.memory_space<hbm>> -> memref<64x256xf32, #tpu.memory_space<hbm>>
      tpu.enqueue_dma source(%arg6 : memref<64x256xf32, #tpu.memory_space<vmem>>) target(%dma_start3A_42 : memref<64x256xf32, #tpu.memory_space<hbm>>) target_semaphore(%run_scoped3A : memref<!tpu.dma_semaphore, #tpu.memory_space<semaphore_mem>>)
      %dma_wait3A_43 = arith.constant 0 : i32
      %dma_wait3A_44 = tpu.memref_slice %arg4[%select_n3A, %mul3A_32, %dma_wait3A_43] : memref<2x1024x256xf32, #tpu.memory_space<hbm>> -> memref<1x64x256xf32, #tpu.memory_space<hbm>>
      %dma_wait3A_45 = tpu.memref_squeeze %dma_wait3A_44 : memref<1x64x256xf32, #tpu.memory_space<hbm>> -> memref<64x256xf32, #tpu.memory_space<hbm>>
      %dma_wait3A_46 = arith.constant 0 : i32
      %dma_wait3A_47 = tpu.memref_slice %arg4[%select_n3A, %mul3A_32, %dma_wait3A_46] : memref<2x1024x256xf32, #tpu.memory_space<hbm>> -> memref<1x64x256xf32, #tpu.memory_space<hbm>>
      %dma_wait3A_48 = tpu.memref_squeeze %dma_wait3A_47 : memref<1x64x256xf32, #tpu.memory_space<hbm>> -> memref<64x256xf32, #tpu.memory_space<hbm>>
      tpu.wait_dma2 semaphore(%run_scoped3A : memref<!tpu.dma_semaphore, #tpu.memory_space<semaphore_mem>>) src(%arg6 : memref<64x256xf32, #tpu.memory_space<vmem>>) dst(%dma_wait3A_48 : memref<64x256xf32, #tpu.memory_space<hbm>>)
      tpu.yield
    }) : () -> ()
    return
  }
}

module attributes {stable_mosaic.version = 14 : i64} {
  func.func @_vq_argmin_body(%arg0: i32, %arg1: memref<512x256xf32, #tpu.memory_space<vmem>>, %arg2: memref<256x512xf32, #tpu.memory_space<vmem>>, %arg3: memref<512x256xf32, #tpu.memory_space<vmem>>, %arg4: memref<512xi32, #tpu.memory_space<vmem>>) attributes {dimension_semantics = [#tpu.dimension_semantics<arbitrary>], iteration_bounds = array<i64: 4>, scalar_prefetch = 0 : i64, scratch_operands = 0 : i64, tpu.core_type = #tpu.core_type<tc>, window_params = [{transform_indices = @transform_0, window_bounds = array<i64: 512, 256>}, {pipeline_mode = #tpu.pipeline_mode<synchronous>, transform_indices = @transform_1, window_bounds = array<i64: 256, 512>}, {pipeline_mode = #tpu.pipeline_mode<synchronous>, transform_indices = @transform_2, window_bounds = array<i64: 512, 256>}, {transform_indices = @transform_3, window_bounds = array<i64: 512>}]} {
    %get3A = arith.constant 0 : index
    %get3A_0 = arith.constant 0 : index
    %get3A_1 = vector.load %arg1[%get3A, %get3A_0] : memref<512x256xf32, #tpu.memory_space<vmem>>, vector<512x256xf32>
    %get3A_2 = arith.constant 0 : index
    %get3A_3 = arith.constant 0 : index
    %get3A_4 = vector.load %arg2[%get3A_2, %get3A_3] : memref<256x512xf32, #tpu.memory_space<vmem>>, vector<256x512xf32>
    %get3A_5 = arith.constant 0 : index
    %get3A_6 = arith.constant 0 : index
    %get3A_7 = vector.load %arg3[%get3A_5, %get3A_6] : memref<512x256xf32, #tpu.memory_space<vmem>>, vector<512x256xf32>
    %dot_general3A = arith.constant dense<0.000000e+00> : vector<512x512xf32>
    %dot_general3A_8 = tpu.matmul %get3A_1, %get3A_4, %dot_general3A {dimension_numbers = #tpu.dot_dimension_numbers<[1], [0], [0], [1], [0, 0, 1, 1], [], []>, precision = #tpu.contract_precision<fp32>, transpose_lhs_hint = false} : vector<512x256xf32>, vector<256x512xf32>, vector<512x512xf32> -> vector<512x512xf32>
    %mul3A = arith.mulf %get3A_4, %get3A_4 : vector<256x512xf32>
    %reduce_sum3A = arith.constant dense<0.000000e+00> : vector<512xf32>
    %reduce_sum3A_9 = vector.multi_reduction <add>, %mul3A, %reduce_sum3A [0] : vector<256x512xf32> to vector<512xf32>
    %broadcast_in_dim3A = vector.shape_cast %reduce_sum3A_9 : vector<512xf32> to vector<1x512xf32>
    %mul3A_10 = arith.constant 2.000000e+00 : f32
    %mul3A_11 = vector.broadcast %mul3A_10 : f32 to vector<512x512xf32>
    %mul3A_12 = arith.mulf %mul3A_11, %dot_general3A_8 : vector<512x512xf32>
    %sub3A = vector.broadcast %broadcast_in_dim3A : vector<1x512xf32> to vector<512x512xf32>
    %sub3A_13 = arith.subf %sub3A, %mul3A_12 : vector<512x512xf32>
    %iota3A = tpu.iota {dimensions = array<i32: 1>} : vector<512x512xi32>
    %reduce_min3A = arith.constant dense<0x7F800000> : vector<512xf32>
    %reduce_min3A_14 = vector.multi_reduction <minimumf>, %sub3A_13, %reduce_min3A [1] : vector<512x512xf32> to vector<512xf32>
    %broadcast_in_dim3A_15 = vector.shape_cast %reduce_min3A_14 : vector<512xf32> to vector<512x1xf32>
    %eq3A = vector.broadcast %broadcast_in_dim3A_15 : vector<512x1xf32> to vector<512x512xf32>
    %eq3A_16 = arith.cmpf oeq, %sub3A_13, %eq3A : vector<512x512xf32>
    %jit3A = arith.constant 512 : i32
    %broadcast_in_dim3A_17 = vector.broadcast %jit3A : i32 to vector<512x512xi32>
    %select_n3A = arith.select %eq3A_16, %iota3A, %broadcast_in_dim3A_17 : vector<512x512xi1>, vector<512x512xi32>
    %reduce_min3A_18 = arith.constant dense<2147483647> : vector<512xi32>
    %reduce_min3A_19 = vector.multi_reduction <minsi>, %select_n3A, %reduce_min3A_18 [1] : vector<512x512xi32> to vector<512xi32>
    %broadcast_in_dim3A_20 = vector.shape_cast %reduce_min3A_19 : vector<512xi32> to vector<512x1xi32>
    %eq3A_21 = vector.broadcast %broadcast_in_dim3A_20 : vector<512x1xi32> to vector<512x512xi32>
    %eq3A_22 = arith.cmpi eq, %iota3A, %eq3A_21 : vector<512x512xi32>
    %jit3A_23 = arith.constant 0x7F800000 : f32
    %broadcast_in_dim3A_24 = vector.broadcast %jit3A_23 : f32 to vector<512x512xf32>
    %select_n3A_25 = arith.select %eq3A_22, %broadcast_in_dim3A_24, %sub3A_13 : vector<512x512xi1>, vector<512x512xf32>
    %eq3A_26 = vector.broadcast %broadcast_in_dim3A_20 : vector<512x1xi32> to vector<512x512xi32>
    %eq3A_27 = arith.cmpi eq, %iota3A, %eq3A_26 : vector<512x512xi32>
    %convert_element_type3A = arith.extui %eq3A_27 : vector<512x512xi1> to vector<512x512xi32>
    %convert_element_type3A_28 = arith.sitofp %convert_element_type3A : vector<512x512xi32> to vector<512x512xf32>
    %dot_general3A_29 = arith.constant dense<0.000000e+00> : vector<512x256xf32>
    %dot_general3A_30 = tpu.matmul %convert_element_type3A_28, %get3A_7, %dot_general3A_29 {dimension_numbers = #tpu.dot_dimension_numbers<[1], [0], [0], [1], [0, 0, 1, 1], [], []>, precision = #tpu.contract_precision<fp32>, transpose_lhs_hint = false} : vector<512x512xf32>, vector<512x256xf32>, vector<512x256xf32> -> vector<512x256xf32>
    %sub3A_31 = arith.subf %get3A_1, %dot_general3A_30 : vector<512x256xf32>
    %mul3A_32 = arith.mulf %sub3A_31, %sub3A_31 : vector<512x256xf32>
    %slice3A = vector.extract_strided_slice %mul3A_32 {offsets = [0, 0], sizes = [512, 128], strides = [1, 1]} : vector<512x256xf32> to vector<512x128xf32>
    %slice3A_33 = vector.extract_strided_slice %slice3A {offsets = [0, 0], sizes = [512, 8], strides = [1, 1]} : vector<512x128xf32> to vector<512x8xf32>
    %slice3A_34 = vector.extract_strided_slice %slice3A {offsets = [0, 8], sizes = [512, 8], strides = [1, 1]} : vector<512x128xf32> to vector<512x8xf32>
    %add3A = arith.addf %slice3A_33, %slice3A_34 : vector<512x8xf32>
    %slice3A_35 = vector.extract_strided_slice %slice3A {offsets = [0, 16], sizes = [512, 8], strides = [1, 1]} : vector<512x128xf32> to vector<512x8xf32>
    %add3A_36 = arith.addf %add3A, %slice3A_35 : vector<512x8xf32>
    %slice3A_37 = vector.extract_strided_slice %slice3A {offsets = [0, 24], sizes = [512, 8], strides = [1, 1]} : vector<512x128xf32> to vector<512x8xf32>
    %add3A_38 = arith.addf %add3A_36, %slice3A_37 : vector<512x8xf32>
    %slice3A_39 = vector.extract_strided_slice %slice3A {offsets = [0, 32], sizes = [512, 8], strides = [1, 1]} : vector<512x128xf32> to vector<512x8xf32>
    %add3A_40 = arith.addf %add3A_38, %slice3A_39 : vector<512x8xf32>
    %slice3A_41 = vector.extract_strided_slice %slice3A {offsets = [0, 40], sizes = [512, 8], strides = [1, 1]} : vector<512x128xf32> to vector<512x8xf32>
    %add3A_42 = arith.addf %add3A_40, %slice3A_41 : vector<512x8xf32>
    %slice3A_43 = vector.extract_strided_slice %slice3A {offsets = [0, 48], sizes = [512, 8], strides = [1, 1]} : vector<512x128xf32> to vector<512x8xf32>
    %add3A_44 = arith.addf %add3A_42, %slice3A_43 : vector<512x8xf32>
    %slice3A_45 = vector.extract_strided_slice %slice3A {offsets = [0, 56], sizes = [512, 8], strides = [1, 1]} : vector<512x128xf32> to vector<512x8xf32>
    %add3A_46 = arith.addf %add3A_44, %slice3A_45 : vector<512x8xf32>
    %slice3A_47 = vector.extract_strided_slice %slice3A {offsets = [0, 64], sizes = [512, 8], strides = [1, 1]} : vector<512x128xf32> to vector<512x8xf32>
    %add3A_48 = arith.addf %add3A_46, %slice3A_47 : vector<512x8xf32>
    %slice3A_49 = vector.extract_strided_slice %slice3A {offsets = [0, 72], sizes = [512, 8], strides = [1, 1]} : vector<512x128xf32> to vector<512x8xf32>
    %add3A_50 = arith.addf %add3A_48, %slice3A_49 : vector<512x8xf32>
    %slice3A_51 = vector.extract_strided_slice %slice3A {offsets = [0, 80], sizes = [512, 8], strides = [1, 1]} : vector<512x128xf32> to vector<512x8xf32>
    %add3A_52 = arith.addf %add3A_50, %slice3A_51 : vector<512x8xf32>
    %slice3A_53 = vector.extract_strided_slice %slice3A {offsets = [0, 88], sizes = [512, 8], strides = [1, 1]} : vector<512x128xf32> to vector<512x8xf32>
    %add3A_54 = arith.addf %add3A_52, %slice3A_53 : vector<512x8xf32>
    %slice3A_55 = vector.extract_strided_slice %slice3A {offsets = [0, 96], sizes = [512, 8], strides = [1, 1]} : vector<512x128xf32> to vector<512x8xf32>
    %add3A_56 = arith.addf %add3A_54, %slice3A_55 : vector<512x8xf32>
    %slice3A_57 = vector.extract_strided_slice %slice3A {offsets = [0, 104], sizes = [512, 8], strides = [1, 1]} : vector<512x128xf32> to vector<512x8xf32>
    %add3A_58 = arith.addf %add3A_56, %slice3A_57 : vector<512x8xf32>
    %slice3A_59 = vector.extract_strided_slice %slice3A {offsets = [0, 112], sizes = [512, 8], strides = [1, 1]} : vector<512x128xf32> to vector<512x8xf32>
    %add3A_60 = arith.addf %add3A_58, %slice3A_59 : vector<512x8xf32>
    %slice3A_61 = vector.extract_strided_slice %slice3A {offsets = [0, 120], sizes = [512, 8], strides = [1, 1]} : vector<512x128xf32> to vector<512x8xf32>
    %add3A_62 = arith.addf %add3A_60, %slice3A_61 : vector<512x8xf32>
    %slice3A_63 = vector.extract_strided_slice %add3A_62 {offsets = [0, 0], sizes = [512, 4], strides = [1, 1]} : vector<512x8xf32> to vector<512x4xf32>
    %slice3A_64 = vector.extract_strided_slice %add3A_62 {offsets = [0, 4], sizes = [512, 4], strides = [1, 1]} : vector<512x8xf32> to vector<512x4xf32>
    %add3A_65 = arith.addf %slice3A_63, %slice3A_64 : vector<512x4xf32>
    %slice3A_66 = vector.extract_strided_slice %add3A_65 {offsets = [0, 0], sizes = [512, 2], strides = [1, 1]} : vector<512x4xf32> to vector<512x2xf32>
    %slice3A_67 = vector.extract_strided_slice %add3A_65 {offsets = [0, 2], sizes = [512, 2], strides = [1, 1]} : vector<512x4xf32> to vector<512x2xf32>
    %add3A_68 = arith.addf %slice3A_66, %slice3A_67 : vector<512x2xf32>
    %slice3A_69 = vector.extract_strided_slice %add3A_68 {offsets = [0, 0], sizes = [512, 1], strides = [1, 1]} : vector<512x2xf32> to vector<512x1xf32>
    %slice3A_70 = vector.extract_strided_slice %add3A_68 {offsets = [0, 1], sizes = [512, 1], strides = [1, 1]} : vector<512x2xf32> to vector<512x1xf32>
    %add3A_71 = arith.addf %slice3A_69, %slice3A_70 : vector<512x1xf32>
    %slice3A_72 = vector.extract_strided_slice %mul3A_32 {offsets = [0, 128], sizes = [512, 128], strides = [1, 1]} : vector<512x256xf32> to vector<512x128xf32>
    %slice3A_73 = vector.extract_strided_slice %slice3A_72 {offsets = [0, 0], sizes = [512, 8], strides = [1, 1]} : vector<512x128xf32> to vector<512x8xf32>
    %slice3A_74 = vector.extract_strided_slice %slice3A_72 {offsets = [0, 8], sizes = [512, 8], strides = [1, 1]} : vector<512x128xf32> to vector<512x8xf32>
    %add3A_75 = arith.addf %slice3A_73, %slice3A_74 : vector<512x8xf32>
    %slice3A_76 = vector.extract_strided_slice %slice3A_72 {offsets = [0, 16], sizes = [512, 8], strides = [1, 1]} : vector<512x128xf32> to vector<512x8xf32>
    %add3A_77 = arith.addf %add3A_75, %slice3A_76 : vector<512x8xf32>
    %slice3A_78 = vector.extract_strided_slice %slice3A_72 {offsets = [0, 24], sizes = [512, 8], strides = [1, 1]} : vector<512x128xf32> to vector<512x8xf32>
    %add3A_79 = arith.addf %add3A_77, %slice3A_78 : vector<512x8xf32>
    %slice3A_80 = vector.extract_strided_slice %slice3A_72 {offsets = [0, 32], sizes = [512, 8], strides = [1, 1]} : vector<512x128xf32> to vector<512x8xf32>
    %add3A_81 = arith.addf %add3A_79, %slice3A_80 : vector<512x8xf32>
    %slice3A_82 = vector.extract_strided_slice %slice3A_72 {offsets = [0, 40], sizes = [512, 8], strides = [1, 1]} : vector<512x128xf32> to vector<512x8xf32>
    %add3A_83 = arith.addf %add3A_81, %slice3A_82 : vector<512x8xf32>
    %slice3A_84 = vector.extract_strided_slice %slice3A_72 {offsets = [0, 48], sizes = [512, 8], strides = [1, 1]} : vector<512x128xf32> to vector<512x8xf32>
    %add3A_85 = arith.addf %add3A_83, %slice3A_84 : vector<512x8xf32>
    %slice3A_86 = vector.extract_strided_slice %slice3A_72 {offsets = [0, 56], sizes = [512, 8], strides = [1, 1]} : vector<512x128xf32> to vector<512x8xf32>
    %add3A_87 = arith.addf %add3A_85, %slice3A_86 : vector<512x8xf32>
    %slice3A_88 = vector.extract_strided_slice %slice3A_72 {offsets = [0, 64], sizes = [512, 8], strides = [1, 1]} : vector<512x128xf32> to vector<512x8xf32>
    %add3A_89 = arith.addf %add3A_87, %slice3A_88 : vector<512x8xf32>
    %slice3A_90 = vector.extract_strided_slice %slice3A_72 {offsets = [0, 72], sizes = [512, 8], strides = [1, 1]} : vector<512x128xf32> to vector<512x8xf32>
    %add3A_91 = arith.addf %add3A_89, %slice3A_90 : vector<512x8xf32>
    %slice3A_92 = vector.extract_strided_slice %slice3A_72 {offsets = [0, 80], sizes = [512, 8], strides = [1, 1]} : vector<512x128xf32> to vector<512x8xf32>
    %add3A_93 = arith.addf %add3A_91, %slice3A_92 : vector<512x8xf32>
    %slice3A_94 = vector.extract_strided_slice %slice3A_72 {offsets = [0, 88], sizes = [512, 8], strides = [1, 1]} : vector<512x128xf32> to vector<512x8xf32>
    %add3A_95 = arith.addf %add3A_93, %slice3A_94 : vector<512x8xf32>
    %slice3A_96 = vector.extract_strided_slice %slice3A_72 {offsets = [0, 96], sizes = [512, 8], strides = [1, 1]} : vector<512x128xf32> to vector<512x8xf32>
    %add3A_97 = arith.addf %add3A_95, %slice3A_96 : vector<512x8xf32>
    %slice3A_98 = vector.extract_strided_slice %slice3A_72 {offsets = [0, 104], sizes = [512, 8], strides = [1, 1]} : vector<512x128xf32> to vector<512x8xf32>
    %add3A_99 = arith.addf %add3A_97, %slice3A_98 : vector<512x8xf32>
    %slice3A_100 = vector.extract_strided_slice %slice3A_72 {offsets = [0, 112], sizes = [512, 8], strides = [1, 1]} : vector<512x128xf32> to vector<512x8xf32>
    %add3A_101 = arith.addf %add3A_99, %slice3A_100 : vector<512x8xf32>
    %slice3A_102 = vector.extract_strided_slice %slice3A_72 {offsets = [0, 120], sizes = [512, 8], strides = [1, 1]} : vector<512x128xf32> to vector<512x8xf32>
    %add3A_103 = arith.addf %add3A_101, %slice3A_102 : vector<512x8xf32>
    %slice3A_104 = vector.extract_strided_slice %add3A_103 {offsets = [0, 0], sizes = [512, 4], strides = [1, 1]} : vector<512x8xf32> to vector<512x4xf32>
    %slice3A_105 = vector.extract_strided_slice %add3A_103 {offsets = [0, 4], sizes = [512, 4], strides = [1, 1]} : vector<512x8xf32> to vector<512x4xf32>
    %add3A_106 = arith.addf %slice3A_104, %slice3A_105 : vector<512x4xf32>
    %slice3A_107 = vector.extract_strided_slice %add3A_106 {offsets = [0, 0], sizes = [512, 2], strides = [1, 1]} : vector<512x4xf32> to vector<512x2xf32>
    %slice3A_108 = vector.extract_strided_slice %add3A_106 {offsets = [0, 2], sizes = [512, 2], strides = [1, 1]} : vector<512x4xf32> to vector<512x2xf32>
    %add3A_109 = arith.addf %slice3A_107, %slice3A_108 : vector<512x2xf32>
    %slice3A_110 = vector.extract_strided_slice %add3A_109 {offsets = [0, 0], sizes = [512, 1], strides = [1, 1]} : vector<512x2xf32> to vector<512x1xf32>
    %slice3A_111 = vector.extract_strided_slice %add3A_109 {offsets = [0, 1], sizes = [512, 1], strides = [1, 1]} : vector<512x2xf32> to vector<512x1xf32>
    %add3A_112 = arith.addf %slice3A_110, %slice3A_111 : vector<512x1xf32>
    %add3A_113 = arith.addf %add3A_71, %add3A_112 : vector<512x1xf32>
    %reduce_min3A_114 = arith.constant dense<0x7F800000> : vector<512xf32>
    %reduce_min3A_115 = vector.multi_reduction <minimumf>, %select_n3A_25, %reduce_min3A_114 [1] : vector<512x512xf32> to vector<512xf32>
    %broadcast_in_dim3A_116 = vector.shape_cast %reduce_min3A_115 : vector<512xf32> to vector<512x1xf32>
    %eq3A_117 = vector.broadcast %broadcast_in_dim3A_116 : vector<512x1xf32> to vector<512x512xf32>
    %eq3A_118 = arith.cmpf oeq, %select_n3A_25, %eq3A_117 : vector<512x512xf32>
    %jit3A_119 = arith.constant 512 : i32
    %broadcast_in_dim3A_120 = vector.broadcast %jit3A_119 : i32 to vector<512x512xi32>
    %select_n3A_121 = arith.select %eq3A_118, %iota3A, %broadcast_in_dim3A_120 : vector<512x512xi1>, vector<512x512xi32>
    %reduce_min3A_122 = arith.constant dense<2147483647> : vector<512xi32>
    %reduce_min3A_123 = vector.multi_reduction <minsi>, %select_n3A_121, %reduce_min3A_122 [1] : vector<512x512xi32> to vector<512xi32>
    %broadcast_in_dim3A_124 = vector.shape_cast %reduce_min3A_123 : vector<512xi32> to vector<512x1xi32>
    %eq3A_125 = vector.broadcast %broadcast_in_dim3A_124 : vector<512x1xi32> to vector<512x512xi32>
    %eq3A_126 = arith.cmpi eq, %iota3A, %eq3A_125 : vector<512x512xi32>
    %jit3A_127 = arith.constant 0x7F800000 : f32
    %broadcast_in_dim3A_128 = vector.broadcast %jit3A_127 : f32 to vector<512x512xf32>
    %select_n3A_129 = arith.select %eq3A_126, %broadcast_in_dim3A_128, %select_n3A_25 : vector<512x512xi1>, vector<512x512xf32>
    %eq3A_130 = vector.broadcast %broadcast_in_dim3A_124 : vector<512x1xi32> to vector<512x512xi32>
    %eq3A_131 = arith.cmpi eq, %iota3A, %eq3A_130 : vector<512x512xi32>
    %convert_element_type3A_132 = arith.extui %eq3A_131 : vector<512x512xi1> to vector<512x512xi32>
    %convert_element_type3A_133 = arith.sitofp %convert_element_type3A_132 : vector<512x512xi32> to vector<512x512xf32>
    %dot_general3A_134 = arith.constant dense<0.000000e+00> : vector<512x256xf32>
    %dot_general3A_135 = tpu.matmul %convert_element_type3A_133, %get3A_7, %dot_general3A_134 {dimension_numbers = #tpu.dot_dimension_numbers<[1], [0], [0], [1], [0, 0, 1, 1], [], []>, precision = #tpu.contract_precision<fp32>, transpose_lhs_hint = false} : vector<512x512xf32>, vector<512x256xf32>, vector<512x256xf32> -> vector<512x256xf32>
    %sub3A_136 = arith.subf %get3A_1, %dot_general3A_135 : vector<512x256xf32>
    %mul3A_137 = arith.mulf %sub3A_136, %sub3A_136 : vector<512x256xf32>
    %slice3A_138 = vector.extract_strided_slice %mul3A_137 {offsets = [0, 0], sizes = [512, 128], strides = [1, 1]} : vector<512x256xf32> to vector<512x128xf32>
    %slice3A_139 = vector.extract_strided_slice %slice3A_138 {offsets = [0, 0], sizes = [512, 8], strides = [1, 1]} : vector<512x128xf32> to vector<512x8xf32>
    %slice3A_140 = vector.extract_strided_slice %slice3A_138 {offsets = [0, 8], sizes = [512, 8], strides = [1, 1]} : vector<512x128xf32> to vector<512x8xf32>
    %add3A_141 = arith.addf %slice3A_139, %slice3A_140 : vector<512x8xf32>
    %slice3A_142 = vector.extract_strided_slice %slice3A_138 {offsets = [0, 16], sizes = [512, 8], strides = [1, 1]} : vector<512x128xf32> to vector<512x8xf32>
    %add3A_143 = arith.addf %add3A_141, %slice3A_142 : vector<512x8xf32>
    %slice3A_144 = vector.extract_strided_slice %slice3A_138 {offsets = [0, 24], sizes = [512, 8], strides = [1, 1]} : vector<512x128xf32> to vector<512x8xf32>
    %add3A_145 = arith.addf %add3A_143, %slice3A_144 : vector<512x8xf32>
    %slice3A_146 = vector.extract_strided_slice %slice3A_138 {offsets = [0, 32], sizes = [512, 8], strides = [1, 1]} : vector<512x128xf32> to vector<512x8xf32>
    %add3A_147 = arith.addf %add3A_145, %slice3A_146 : vector<512x8xf32>
    %slice3A_148 = vector.extract_strided_slice %slice3A_138 {offsets = [0, 40], sizes = [512, 8], strides = [1, 1]} : vector<512x128xf32> to vector<512x8xf32>
    %add3A_149 = arith.addf %add3A_147, %slice3A_148 : vector<512x8xf32>
    %slice3A_150 = vector.extract_strided_slice %slice3A_138 {offsets = [0, 48], sizes = [512, 8], strides = [1, 1]} : vector<512x128xf32> to vector<512x8xf32>
    %add3A_151 = arith.addf %add3A_149, %slice3A_150 : vector<512x8xf32>
    %slice3A_152 = vector.extract_strided_slice %slice3A_138 {offsets = [0, 56], sizes = [512, 8], strides = [1, 1]} : vector<512x128xf32> to vector<512x8xf32>
    %add3A_153 = arith.addf %add3A_151, %slice3A_152 : vector<512x8xf32>
    %slice3A_154 = vector.extract_strided_slice %slice3A_138 {offsets = [0, 64], sizes = [512, 8], strides = [1, 1]} : vector<512x128xf32> to vector<512x8xf32>
    %add3A_155 = arith.addf %add3A_153, %slice3A_154 : vector<512x8xf32>
    %slice3A_156 = vector.extract_strided_slice %slice3A_138 {offsets = [0, 72], sizes = [512, 8], strides = [1, 1]} : vector<512x128xf32> to vector<512x8xf32>
    %add3A_157 = arith.addf %add3A_155, %slice3A_156 : vector<512x8xf32>
    %slice3A_158 = vector.extract_strided_slice %slice3A_138 {offsets = [0, 80], sizes = [512, 8], strides = [1, 1]} : vector<512x128xf32> to vector<512x8xf32>
    %add3A_159 = arith.addf %add3A_157, %slice3A_158 : vector<512x8xf32>
    %slice3A_160 = vector.extract_strided_slice %slice3A_138 {offsets = [0, 88], sizes = [512, 8], strides = [1, 1]} : vector<512x128xf32> to vector<512x8xf32>
    %add3A_161 = arith.addf %add3A_159, %slice3A_160 : vector<512x8xf32>
    %slice3A_162 = vector.extract_strided_slice %slice3A_138 {offsets = [0, 96], sizes = [512, 8], strides = [1, 1]} : vector<512x128xf32> to vector<512x8xf32>
    %add3A_163 = arith.addf %add3A_161, %slice3A_162 : vector<512x8xf32>
    %slice3A_164 = vector.extract_strided_slice %slice3A_138 {offsets = [0, 104], sizes = [512, 8], strides = [1, 1]} : vector<512x128xf32> to vector<512x8xf32>
    %add3A_165 = arith.addf %add3A_163, %slice3A_164 : vector<512x8xf32>
    %slice3A_166 = vector.extract_strided_slice %slice3A_138 {offsets = [0, 112], sizes = [512, 8], strides = [1, 1]} : vector<512x128xf32> to vector<512x8xf32>
    %add3A_167 = arith.addf %add3A_165, %slice3A_166 : vector<512x8xf32>
    %slice3A_168 = vector.extract_strided_slice %slice3A_138 {offsets = [0, 120], sizes = [512, 8], strides = [1, 1]} : vector<512x128xf32> to vector<512x8xf32>
    %add3A_169 = arith.addf %add3A_167, %slice3A_168 : vector<512x8xf32>
    %slice3A_170 = vector.extract_strided_slice %add3A_169 {offsets = [0, 0], sizes = [512, 4], strides = [1, 1]} : vector<512x8xf32> to vector<512x4xf32>
    %slice3A_171 = vector.extract_strided_slice %add3A_169 {offsets = [0, 4], sizes = [512, 4], strides = [1, 1]} : vector<512x8xf32> to vector<512x4xf32>
    %add3A_172 = arith.addf %slice3A_170, %slice3A_171 : vector<512x4xf32>
    %slice3A_173 = vector.extract_strided_slice %add3A_172 {offsets = [0, 0], sizes = [512, 2], strides = [1, 1]} : vector<512x4xf32> to vector<512x2xf32>
    %slice3A_174 = vector.extract_strided_slice %add3A_172 {offsets = [0, 2], sizes = [512, 2], strides = [1, 1]} : vector<512x4xf32> to vector<512x2xf32>
    %add3A_175 = arith.addf %slice3A_173, %slice3A_174 : vector<512x2xf32>
    %slice3A_176 = vector.extract_strided_slice %add3A_175 {offsets = [0, 0], sizes = [512, 1], strides = [1, 1]} : vector<512x2xf32> to vector<512x1xf32>
    %slice3A_177 = vector.extract_strided_slice %add3A_175 {offsets = [0, 1], sizes = [512, 1], strides = [1, 1]} : vector<512x2xf32> to vector<512x1xf32>
    %add3A_178 = arith.addf %slice3A_176, %slice3A_177 : vector<512x1xf32>
    %slice3A_179 = vector.extract_strided_slice %mul3A_137 {offsets = [0, 128], sizes = [512, 128], strides = [1, 1]} : vector<512x256xf32> to vector<512x128xf32>
    %slice3A_180 = vector.extract_strided_slice %slice3A_179 {offsets = [0, 0], sizes = [512, 8], strides = [1, 1]} : vector<512x128xf32> to vector<512x8xf32>
    %slice3A_181 = vector.extract_strided_slice %slice3A_179 {offsets = [0, 8], sizes = [512, 8], strides = [1, 1]} : vector<512x128xf32> to vector<512x8xf32>
    %add3A_182 = arith.addf %slice3A_180, %slice3A_181 : vector<512x8xf32>
    %slice3A_183 = vector.extract_strided_slice %slice3A_179 {offsets = [0, 16], sizes = [512, 8], strides = [1, 1]} : vector<512x128xf32> to vector<512x8xf32>
    %add3A_184 = arith.addf %add3A_182, %slice3A_183 : vector<512x8xf32>
    %slice3A_185 = vector.extract_strided_slice %slice3A_179 {offsets = [0, 24], sizes = [512, 8], strides = [1, 1]} : vector<512x128xf32> to vector<512x8xf32>
    %add3A_186 = arith.addf %add3A_184, %slice3A_185 : vector<512x8xf32>
    %slice3A_187 = vector.extract_strided_slice %slice3A_179 {offsets = [0, 32], sizes = [512, 8], strides = [1, 1]} : vector<512x128xf32> to vector<512x8xf32>
    %add3A_188 = arith.addf %add3A_186, %slice3A_187 : vector<512x8xf32>
    %slice3A_189 = vector.extract_strided_slice %slice3A_179 {offsets = [0, 40], sizes = [512, 8], strides = [1, 1]} : vector<512x128xf32> to vector<512x8xf32>
    %add3A_190 = arith.addf %add3A_188, %slice3A_189 : vector<512x8xf32>
    %slice3A_191 = vector.extract_strided_slice %slice3A_179 {offsets = [0, 48], sizes = [512, 8], strides = [1, 1]} : vector<512x128xf32> to vector<512x8xf32>
    %add3A_192 = arith.addf %add3A_190, %slice3A_191 : vector<512x8xf32>
    %slice3A_193 = vector.extract_strided_slice %slice3A_179 {offsets = [0, 56], sizes = [512, 8], strides = [1, 1]} : vector<512x128xf32> to vector<512x8xf32>
    %add3A_194 = arith.addf %add3A_192, %slice3A_193 : vector<512x8xf32>
    %slice3A_195 = vector.extract_strided_slice %slice3A_179 {offsets = [0, 64], sizes = [512, 8], strides = [1, 1]} : vector<512x128xf32> to vector<512x8xf32>
    %add3A_196 = arith.addf %add3A_194, %slice3A_195 : vector<512x8xf32>
    %slice3A_197 = vector.extract_strided_slice %slice3A_179 {offsets = [0, 72], sizes = [512, 8], strides = [1, 1]} : vector<512x128xf32> to vector<512x8xf32>
    %add3A_198 = arith.addf %add3A_196, %slice3A_197 : vector<512x8xf32>
    %slice3A_199 = vector.extract_strided_slice %slice3A_179 {offsets = [0, 80], sizes = [512, 8], strides = [1, 1]} : vector<512x128xf32> to vector<512x8xf32>
    %add3A_200 = arith.addf %add3A_198, %slice3A_199 : vector<512x8xf32>
    %slice3A_201 = vector.extract_strided_slice %slice3A_179 {offsets = [0, 88], sizes = [512, 8], strides = [1, 1]} : vector<512x128xf32> to vector<512x8xf32>
    %add3A_202 = arith.addf %add3A_200, %slice3A_201 : vector<512x8xf32>
    %slice3A_203 = vector.extract_strided_slice %slice3A_179 {offsets = [0, 96], sizes = [512, 8], strides = [1, 1]} : vector<512x128xf32> to vector<512x8xf32>
    %add3A_204 = arith.addf %add3A_202, %slice3A_203 : vector<512x8xf32>
    %slice3A_205 = vector.extract_strided_slice %slice3A_179 {offsets = [0, 104], sizes = [512, 8], strides = [1, 1]} : vector<512x128xf32> to vector<512x8xf32>
    %add3A_206 = arith.addf %add3A_204, %slice3A_205 : vector<512x8xf32>
    %slice3A_207 = vector.extract_strided_slice %slice3A_179 {offsets = [0, 112], sizes = [512, 8], strides = [1, 1]} : vector<512x128xf32> to vector<512x8xf32>
    %add3A_208 = arith.addf %add3A_206, %slice3A_207 : vector<512x8xf32>
    %slice3A_209 = vector.extract_strided_slice %slice3A_179 {offsets = [0, 120], sizes = [512, 8], strides = [1, 1]} : vector<512x128xf32> to vector<512x8xf32>
    %add3A_210 = arith.addf %add3A_208, %slice3A_209 : vector<512x8xf32>
    %slice3A_211 = vector.extract_strided_slice %add3A_210 {offsets = [0, 0], sizes = [512, 4], strides = [1, 1]} : vector<512x8xf32> to vector<512x4xf32>
    %slice3A_212 = vector.extract_strided_slice %add3A_210 {offsets = [0, 4], sizes = [512, 4], strides = [1, 1]} : vector<512x8xf32> to vector<512x4xf32>
    %add3A_213 = arith.addf %slice3A_211, %slice3A_212 : vector<512x4xf32>
    %slice3A_214 = vector.extract_strided_slice %add3A_213 {offsets = [0, 0], sizes = [512, 2], strides = [1, 1]} : vector<512x4xf32> to vector<512x2xf32>
    %slice3A_215 = vector.extract_strided_slice %add3A_213 {offsets = [0, 2], sizes = [512, 2], strides = [1, 1]} : vector<512x4xf32> to vector<512x2xf32>
    %add3A_216 = arith.addf %slice3A_214, %slice3A_215 : vector<512x2xf32>
    %slice3A_217 = vector.extract_strided_slice %add3A_216 {offsets = [0, 0], sizes = [512, 1], strides = [1, 1]} : vector<512x2xf32> to vector<512x1xf32>
    %slice3A_218 = vector.extract_strided_slice %add3A_216 {offsets = [0, 1], sizes = [512, 1], strides = [1, 1]} : vector<512x2xf32> to vector<512x1xf32>
    %add3A_219 = arith.addf %slice3A_217, %slice3A_218 : vector<512x1xf32>
    %add3A_220 = arith.addf %add3A_178, %add3A_219 : vector<512x1xf32>
    %reduce_min3A_221 = arith.constant dense<0x7F800000> : vector<512xf32>
    %reduce_min3A_222 = vector.multi_reduction <minimumf>, %select_n3A_129, %reduce_min3A_221 [1] : vector<512x512xf32> to vector<512xf32>
    %broadcast_in_dim3A_223 = vector.shape_cast %reduce_min3A_222 : vector<512xf32> to vector<512x1xf32>
    %eq3A_224 = vector.broadcast %broadcast_in_dim3A_223 : vector<512x1xf32> to vector<512x512xf32>
    %eq3A_225 = arith.cmpf oeq, %select_n3A_129, %eq3A_224 : vector<512x512xf32>
    %jit3A_226 = arith.constant 512 : i32
    %broadcast_in_dim3A_227 = vector.broadcast %jit3A_226 : i32 to vector<512x512xi32>
    %select_n3A_228 = arith.select %eq3A_225, %iota3A, %broadcast_in_dim3A_227 : vector<512x512xi1>, vector<512x512xi32>
    %reduce_min3A_229 = arith.constant dense<2147483647> : vector<512xi32>
    %reduce_min3A_230 = vector.multi_reduction <minsi>, %select_n3A_228, %reduce_min3A_229 [1] : vector<512x512xi32> to vector<512xi32>
    %broadcast_in_dim3A_231 = vector.shape_cast %reduce_min3A_230 : vector<512xi32> to vector<512x1xi32>
    %eq3A_232 = vector.broadcast %broadcast_in_dim3A_231 : vector<512x1xi32> to vector<512x512xi32>
    %eq3A_233 = arith.cmpi eq, %iota3A, %eq3A_232 : vector<512x512xi32>
    %jit3A_234 = arith.constant 0x7F800000 : f32
    %broadcast_in_dim3A_235 = vector.broadcast %jit3A_234 : f32 to vector<512x512xf32>
    %select_n3A_236 = arith.select %eq3A_233, %broadcast_in_dim3A_235, %select_n3A_129 : vector<512x512xi1>, vector<512x512xf32>
    %eq3A_237 = vector.broadcast %broadcast_in_dim3A_231 : vector<512x1xi32> to vector<512x512xi32>
    %eq3A_238 = arith.cmpi eq, %iota3A, %eq3A_237 : vector<512x512xi32>
    %convert_element_type3A_239 = arith.extui %eq3A_238 : vector<512x512xi1> to vector<512x512xi32>
    %convert_element_type3A_240 = arith.sitofp %convert_element_type3A_239 : vector<512x512xi32> to vector<512x512xf32>
    %dot_general3A_241 = arith.constant dense<0.000000e+00> : vector<512x256xf32>
    %dot_general3A_242 = tpu.matmul %convert_element_type3A_240, %get3A_7, %dot_general3A_241 {dimension_numbers = #tpu.dot_dimension_numbers<[1], [0], [0], [1], [0, 0, 1, 1], [], []>, precision = #tpu.contract_precision<fp32>, transpose_lhs_hint = false} : vector<512x512xf32>, vector<512x256xf32>, vector<512x256xf32> -> vector<512x256xf32>
    %sub3A_243 = arith.subf %get3A_1, %dot_general3A_242 : vector<512x256xf32>
    %mul3A_244 = arith.mulf %sub3A_243, %sub3A_243 : vector<512x256xf32>
    %slice3A_245 = vector.extract_strided_slice %mul3A_244 {offsets = [0, 0], sizes = [512, 128], strides = [1, 1]} : vector<512x256xf32> to vector<512x128xf32>
    %slice3A_246 = vector.extract_strided_slice %slice3A_245 {offsets = [0, 0], sizes = [512, 8], strides = [1, 1]} : vector<512x128xf32> to vector<512x8xf32>
    %slice3A_247 = vector.extract_strided_slice %slice3A_245 {offsets = [0, 8], sizes = [512, 8], strides = [1, 1]} : vector<512x128xf32> to vector<512x8xf32>
    %add3A_248 = arith.addf %slice3A_246, %slice3A_247 : vector<512x8xf32>
    %slice3A_249 = vector.extract_strided_slice %slice3A_245 {offsets = [0, 16], sizes = [512, 8], strides = [1, 1]} : vector<512x128xf32> to vector<512x8xf32>
    %add3A_250 = arith.addf %add3A_248, %slice3A_249 : vector<512x8xf32>
    %slice3A_251 = vector.extract_strided_slice %slice3A_245 {offsets = [0, 24], sizes = [512, 8], strides = [1, 1]} : vector<512x128xf32> to vector<512x8xf32>
    %add3A_252 = arith.addf %add3A_250, %slice3A_251 : vector<512x8xf32>
    %slice3A_253 = vector.extract_strided_slice %slice3A_245 {offsets = [0, 32], sizes = [512, 8], strides = [1, 1]} : vector<512x128xf32> to vector<512x8xf32>
    %add3A_254 = arith.addf %add3A_252, %slice3A_253 : vector<512x8xf32>
    %slice3A_255 = vector.extract_strided_slice %slice3A_245 {offsets = [0, 40], sizes = [512, 8], strides = [1, 1]} : vector<512x128xf32> to vector<512x8xf32>
    %add3A_256 = arith.addf %add3A_254, %slice3A_255 : vector<512x8xf32>
    %slice3A_257 = vector.extract_strided_slice %slice3A_245 {offsets = [0, 48], sizes = [512, 8], strides = [1, 1]} : vector<512x128xf32> to vector<512x8xf32>
    %add3A_258 = arith.addf %add3A_256, %slice3A_257 : vector<512x8xf32>
    %slice3A_259 = vector.extract_strided_slice %slice3A_245 {offsets = [0, 56], sizes = [512, 8], strides = [1, 1]} : vector<512x128xf32> to vector<512x8xf32>
    %add3A_260 = arith.addf %add3A_258, %slice3A_259 : vector<512x8xf32>
    %slice3A_261 = vector.extract_strided_slice %slice3A_245 {offsets = [0, 64], sizes = [512, 8], strides = [1, 1]} : vector<512x128xf32> to vector<512x8xf32>
    %add3A_262 = arith.addf %add3A_260, %slice3A_261 : vector<512x8xf32>
    %slice3A_263 = vector.extract_strided_slice %slice3A_245 {offsets = [0, 72], sizes = [512, 8], strides = [1, 1]} : vector<512x128xf32> to vector<512x8xf32>
    %add3A_264 = arith.addf %add3A_262, %slice3A_263 : vector<512x8xf32>
    %slice3A_265 = vector.extract_strided_slice %slice3A_245 {offsets = [0, 80], sizes = [512, 8], strides = [1, 1]} : vector<512x128xf32> to vector<512x8xf32>
    %add3A_266 = arith.addf %add3A_264, %slice3A_265 : vector<512x8xf32>
    %slice3A_267 = vector.extract_strided_slice %slice3A_245 {offsets = [0, 88], sizes = [512, 8], strides = [1, 1]} : vector<512x128xf32> to vector<512x8xf32>
    %add3A_268 = arith.addf %add3A_266, %slice3A_267 : vector<512x8xf32>
    %slice3A_269 = vector.extract_strided_slice %slice3A_245 {offsets = [0, 96], sizes = [512, 8], strides = [1, 1]} : vector<512x128xf32> to vector<512x8xf32>
    %add3A_270 = arith.addf %add3A_268, %slice3A_269 : vector<512x8xf32>
    %slice3A_271 = vector.extract_strided_slice %slice3A_245 {offsets = [0, 104], sizes = [512, 8], strides = [1, 1]} : vector<512x128xf32> to vector<512x8xf32>
    %add3A_272 = arith.addf %add3A_270, %slice3A_271 : vector<512x8xf32>
    %slice3A_273 = vector.extract_strided_slice %slice3A_245 {offsets = [0, 112], sizes = [512, 8], strides = [1, 1]} : vector<512x128xf32> to vector<512x8xf32>
    %add3A_274 = arith.addf %add3A_272, %slice3A_273 : vector<512x8xf32>
    %slice3A_275 = vector.extract_strided_slice %slice3A_245 {offsets = [0, 120], sizes = [512, 8], strides = [1, 1]} : vector<512x128xf32> to vector<512x8xf32>
    %add3A_276 = arith.addf %add3A_274, %slice3A_275 : vector<512x8xf32>
    %slice3A_277 = vector.extract_strided_slice %add3A_276 {offsets = [0, 0], sizes = [512, 4], strides = [1, 1]} : vector<512x8xf32> to vector<512x4xf32>
    %slice3A_278 = vector.extract_strided_slice %add3A_276 {offsets = [0, 4], sizes = [512, 4], strides = [1, 1]} : vector<512x8xf32> to vector<512x4xf32>
    %add3A_279 = arith.addf %slice3A_277, %slice3A_278 : vector<512x4xf32>
    %slice3A_280 = vector.extract_strided_slice %add3A_279 {offsets = [0, 0], sizes = [512, 2], strides = [1, 1]} : vector<512x4xf32> to vector<512x2xf32>
    %slice3A_281 = vector.extract_strided_slice %add3A_279 {offsets = [0, 2], sizes = [512, 2], strides = [1, 1]} : vector<512x4xf32> to vector<512x2xf32>
    %add3A_282 = arith.addf %slice3A_280, %slice3A_281 : vector<512x2xf32>
    %slice3A_283 = vector.extract_strided_slice %add3A_282 {offsets = [0, 0], sizes = [512, 1], strides = [1, 1]} : vector<512x2xf32> to vector<512x1xf32>
    %slice3A_284 = vector.extract_strided_slice %add3A_282 {offsets = [0, 1], sizes = [512, 1], strides = [1, 1]} : vector<512x2xf32> to vector<512x1xf32>
    %add3A_285 = arith.addf %slice3A_283, %slice3A_284 : vector<512x1xf32>
    %slice3A_286 = vector.extract_strided_slice %mul3A_244 {offsets = [0, 128], sizes = [512, 128], strides = [1, 1]} : vector<512x256xf32> to vector<512x128xf32>
    %slice3A_287 = vector.extract_strided_slice %slice3A_286 {offsets = [0, 0], sizes = [512, 8], strides = [1, 1]} : vector<512x128xf32> to vector<512x8xf32>
    %slice3A_288 = vector.extract_strided_slice %slice3A_286 {offsets = [0, 8], sizes = [512, 8], strides = [1, 1]} : vector<512x128xf32> to vector<512x8xf32>
    %add3A_289 = arith.addf %slice3A_287, %slice3A_288 : vector<512x8xf32>
    %slice3A_290 = vector.extract_strided_slice %slice3A_286 {offsets = [0, 16], sizes = [512, 8], strides = [1, 1]} : vector<512x128xf32> to vector<512x8xf32>
    %add3A_291 = arith.addf %add3A_289, %slice3A_290 : vector<512x8xf32>
    %slice3A_292 = vector.extract_strided_slice %slice3A_286 {offsets = [0, 24], sizes = [512, 8], strides = [1, 1]} : vector<512x128xf32> to vector<512x8xf32>
    %add3A_293 = arith.addf %add3A_291, %slice3A_292 : vector<512x8xf32>
    %slice3A_294 = vector.extract_strided_slice %slice3A_286 {offsets = [0, 32], sizes = [512, 8], strides = [1, 1]} : vector<512x128xf32> to vector<512x8xf32>
    %add3A_295 = arith.addf %add3A_293, %slice3A_294 : vector<512x8xf32>
    %slice3A_296 = vector.extract_strided_slice %slice3A_286 {offsets = [0, 40], sizes = [512, 8], strides = [1, 1]} : vector<512x128xf32> to vector<512x8xf32>
    %add3A_297 = arith.addf %add3A_295, %slice3A_296 : vector<512x8xf32>
    %slice3A_298 = vector.extract_strided_slice %slice3A_286 {offsets = [0, 48], sizes = [512, 8], strides = [1, 1]} : vector<512x128xf32> to vector<512x8xf32>
    %add3A_299 = arith.addf %add3A_297, %slice3A_298 : vector<512x8xf32>
    %slice3A_300 = vector.extract_strided_slice %slice3A_286 {offsets = [0, 56], sizes = [512, 8], strides = [1, 1]} : vector<512x128xf32> to vector<512x8xf32>
    %add3A_301 = arith.addf %add3A_299, %slice3A_300 : vector<512x8xf32>
    %slice3A_302 = vector.extract_strided_slice %slice3A_286 {offsets = [0, 64], sizes = [512, 8], strides = [1, 1]} : vector<512x128xf32> to vector<512x8xf32>
    %add3A_303 = arith.addf %add3A_301, %slice3A_302 : vector<512x8xf32>
    %slice3A_304 = vector.extract_strided_slice %slice3A_286 {offsets = [0, 72], sizes = [512, 8], strides = [1, 1]} : vector<512x128xf32> to vector<512x8xf32>
    %add3A_305 = arith.addf %add3A_303, %slice3A_304 : vector<512x8xf32>
    %slice3A_306 = vector.extract_strided_slice %slice3A_286 {offsets = [0, 80], sizes = [512, 8], strides = [1, 1]} : vector<512x128xf32> to vector<512x8xf32>
    %add3A_307 = arith.addf %add3A_305, %slice3A_306 : vector<512x8xf32>
    %slice3A_308 = vector.extract_strided_slice %slice3A_286 {offsets = [0, 88], sizes = [512, 8], strides = [1, 1]} : vector<512x128xf32> to vector<512x8xf32>
    %add3A_309 = arith.addf %add3A_307, %slice3A_308 : vector<512x8xf32>
    %slice3A_310 = vector.extract_strided_slice %slice3A_286 {offsets = [0, 96], sizes = [512, 8], strides = [1, 1]} : vector<512x128xf32> to vector<512x8xf32>
    %add3A_311 = arith.addf %add3A_309, %slice3A_310 : vector<512x8xf32>
    %slice3A_312 = vector.extract_strided_slice %slice3A_286 {offsets = [0, 104], sizes = [512, 8], strides = [1, 1]} : vector<512x128xf32> to vector<512x8xf32>
    %add3A_313 = arith.addf %add3A_311, %slice3A_312 : vector<512x8xf32>
    %slice3A_314 = vector.extract_strided_slice %slice3A_286 {offsets = [0, 112], sizes = [512, 8], strides = [1, 1]} : vector<512x128xf32> to vector<512x8xf32>
    %add3A_315 = arith.addf %add3A_313, %slice3A_314 : vector<512x8xf32>
    %slice3A_316 = vector.extract_strided_slice %slice3A_286 {offsets = [0, 120], sizes = [512, 8], strides = [1, 1]} : vector<512x128xf32> to vector<512x8xf32>
    %add3A_317 = arith.addf %add3A_315, %slice3A_316 : vector<512x8xf32>
    %slice3A_318 = vector.extract_strided_slice %add3A_317 {offsets = [0, 0], sizes = [512, 4], strides = [1, 1]} : vector<512x8xf32> to vector<512x4xf32>
    %slice3A_319 = vector.extract_strided_slice %add3A_317 {offsets = [0, 4], sizes = [512, 4], strides = [1, 1]} : vector<512x8xf32> to vector<512x4xf32>
    %add3A_320 = arith.addf %slice3A_318, %slice3A_319 : vector<512x4xf32>
    %slice3A_321 = vector.extract_strided_slice %add3A_320 {offsets = [0, 0], sizes = [512, 2], strides = [1, 1]} : vector<512x4xf32> to vector<512x2xf32>
    %slice3A_322 = vector.extract_strided_slice %add3A_320 {offsets = [0, 2], sizes = [512, 2], strides = [1, 1]} : vector<512x4xf32> to vector<512x2xf32>
    %add3A_323 = arith.addf %slice3A_321, %slice3A_322 : vector<512x2xf32>
    %slice3A_324 = vector.extract_strided_slice %add3A_323 {offsets = [0, 0], sizes = [512, 1], strides = [1, 1]} : vector<512x2xf32> to vector<512x1xf32>
    %slice3A_325 = vector.extract_strided_slice %add3A_323 {offsets = [0, 1], sizes = [512, 1], strides = [1, 1]} : vector<512x2xf32> to vector<512x1xf32>
    %add3A_326 = arith.addf %slice3A_324, %slice3A_325 : vector<512x1xf32>
    %add3A_327 = arith.addf %add3A_285, %add3A_326 : vector<512x1xf32>
    %reduce_min3A_328 = arith.constant dense<0x7F800000> : vector<512xf32>
    %reduce_min3A_329 = vector.multi_reduction <minimumf>, %select_n3A_236, %reduce_min3A_328 [1] : vector<512x512xf32> to vector<512xf32>
    %broadcast_in_dim3A_330 = vector.shape_cast %reduce_min3A_329 : vector<512xf32> to vector<512x1xf32>
    %eq3A_331 = vector.broadcast %broadcast_in_dim3A_330 : vector<512x1xf32> to vector<512x512xf32>
    %eq3A_332 = arith.cmpf oeq, %select_n3A_236, %eq3A_331 : vector<512x512xf32>
    %jit3A_333 = arith.constant 512 : i32
    %broadcast_in_dim3A_334 = vector.broadcast %jit3A_333 : i32 to vector<512x512xi32>
    %select_n3A_335 = arith.select %eq3A_332, %iota3A, %broadcast_in_dim3A_334 : vector<512x512xi1>, vector<512x512xi32>
    %reduce_min3A_336 = arith.constant dense<2147483647> : vector<512xi32>
    %reduce_min3A_337 = vector.multi_reduction <minsi>, %select_n3A_335, %reduce_min3A_336 [1] : vector<512x512xi32> to vector<512xi32>
    %broadcast_in_dim3A_338 = vector.shape_cast %reduce_min3A_337 : vector<512xi32> to vector<512x1xi32>
    %eq3A_339 = vector.broadcast %broadcast_in_dim3A_338 : vector<512x1xi32> to vector<512x512xi32>
    %eq3A_340 = arith.cmpi eq, %iota3A, %eq3A_339 : vector<512x512xi32>
    %jit3A_341 = arith.constant 0x7F800000 : f32
    %broadcast_in_dim3A_342 = vector.broadcast %jit3A_341 : f32 to vector<512x512xf32>
    %select_n3A_343 = arith.select %eq3A_340, %broadcast_in_dim3A_342, %select_n3A_236 : vector<512x512xi1>, vector<512x512xf32>
    %eq3A_344 = vector.broadcast %broadcast_in_dim3A_338 : vector<512x1xi32> to vector<512x512xi32>
    %eq3A_345 = arith.cmpi eq, %iota3A, %eq3A_344 : vector<512x512xi32>
    %convert_element_type3A_346 = arith.extui %eq3A_345 : vector<512x512xi1> to vector<512x512xi32>
    %convert_element_type3A_347 = arith.sitofp %convert_element_type3A_346 : vector<512x512xi32> to vector<512x512xf32>
    %dot_general3A_348 = arith.constant dense<0.000000e+00> : vector<512x256xf32>
    %dot_general3A_349 = tpu.matmul %convert_element_type3A_347, %get3A_7, %dot_general3A_348 {dimension_numbers = #tpu.dot_dimension_numbers<[1], [0], [0], [1], [0, 0, 1, 1], [], []>, precision = #tpu.contract_precision<fp32>, transpose_lhs_hint = false} : vector<512x512xf32>, vector<512x256xf32>, vector<512x256xf32> -> vector<512x256xf32>
    %sub3A_350 = arith.subf %get3A_1, %dot_general3A_349 : vector<512x256xf32>
    %mul3A_351 = arith.mulf %sub3A_350, %sub3A_350 : vector<512x256xf32>
    %slice3A_352 = vector.extract_strided_slice %mul3A_351 {offsets = [0, 0], sizes = [512, 128], strides = [1, 1]} : vector<512x256xf32> to vector<512x128xf32>
    %slice3A_353 = vector.extract_strided_slice %slice3A_352 {offsets = [0, 0], sizes = [512, 8], strides = [1, 1]} : vector<512x128xf32> to vector<512x8xf32>
    %slice3A_354 = vector.extract_strided_slice %slice3A_352 {offsets = [0, 8], sizes = [512, 8], strides = [1, 1]} : vector<512x128xf32> to vector<512x8xf32>
    %add3A_355 = arith.addf %slice3A_353, %slice3A_354 : vector<512x8xf32>
    %slice3A_356 = vector.extract_strided_slice %slice3A_352 {offsets = [0, 16], sizes = [512, 8], strides = [1, 1]} : vector<512x128xf32> to vector<512x8xf32>
    %add3A_357 = arith.addf %add3A_355, %slice3A_356 : vector<512x8xf32>
    %slice3A_358 = vector.extract_strided_slice %slice3A_352 {offsets = [0, 24], sizes = [512, 8], strides = [1, 1]} : vector<512x128xf32> to vector<512x8xf32>
    %add3A_359 = arith.addf %add3A_357, %slice3A_358 : vector<512x8xf32>
    %slice3A_360 = vector.extract_strided_slice %slice3A_352 {offsets = [0, 32], sizes = [512, 8], strides = [1, 1]} : vector<512x128xf32> to vector<512x8xf32>
    %add3A_361 = arith.addf %add3A_359, %slice3A_360 : vector<512x8xf32>
    %slice3A_362 = vector.extract_strided_slice %slice3A_352 {offsets = [0, 40], sizes = [512, 8], strides = [1, 1]} : vector<512x128xf32> to vector<512x8xf32>
    %add3A_363 = arith.addf %add3A_361, %slice3A_362 : vector<512x8xf32>
    %slice3A_364 = vector.extract_strided_slice %slice3A_352 {offsets = [0, 48], sizes = [512, 8], strides = [1, 1]} : vector<512x128xf32> to vector<512x8xf32>
    %add3A_365 = arith.addf %add3A_363, %slice3A_364 : vector<512x8xf32>
    %slice3A_366 = vector.extract_strided_slice %slice3A_352 {offsets = [0, 56], sizes = [512, 8], strides = [1, 1]} : vector<512x128xf32> to vector<512x8xf32>
    %add3A_367 = arith.addf %add3A_365, %slice3A_366 : vector<512x8xf32>
    %slice3A_368 = vector.extract_strided_slice %slice3A_352 {offsets = [0, 64], sizes = [512, 8], strides = [1, 1]} : vector<512x128xf32> to vector<512x8xf32>
    %add3A_369 = arith.addf %add3A_367, %slice3A_368 : vector<512x8xf32>
    %slice3A_370 = vector.extract_strided_slice %slice3A_352 {offsets = [0, 72], sizes = [512, 8], strides = [1, 1]} : vector<512x128xf32> to vector<512x8xf32>
    %add3A_371 = arith.addf %add3A_369, %slice3A_370 : vector<512x8xf32>
    %slice3A_372 = vector.extract_strided_slice %slice3A_352 {offsets = [0, 80], sizes = [512, 8], strides = [1, 1]} : vector<512x128xf32> to vector<512x8xf32>
    %add3A_373 = arith.addf %add3A_371, %slice3A_372 : vector<512x8xf32>
    %slice3A_374 = vector.extract_strided_slice %slice3A_352 {offsets = [0, 88], sizes = [512, 8], strides = [1, 1]} : vector<512x128xf32> to vector<512x8xf32>
    %add3A_375 = arith.addf %add3A_373, %slice3A_374 : vector<512x8xf32>
    %slice3A_376 = vector.extract_strided_slice %slice3A_352 {offsets = [0, 96], sizes = [512, 8], strides = [1, 1]} : vector<512x128xf32> to vector<512x8xf32>
    %add3A_377 = arith.addf %add3A_375, %slice3A_376 : vector<512x8xf32>
    %slice3A_378 = vector.extract_strided_slice %slice3A_352 {offsets = [0, 104], sizes = [512, 8], strides = [1, 1]} : vector<512x128xf32> to vector<512x8xf32>
    %add3A_379 = arith.addf %add3A_377, %slice3A_378 : vector<512x8xf32>
    %slice3A_380 = vector.extract_strided_slice %slice3A_352 {offsets = [0, 112], sizes = [512, 8], strides = [1, 1]} : vector<512x128xf32> to vector<512x8xf32>
    %add3A_381 = arith.addf %add3A_379, %slice3A_380 : vector<512x8xf32>
    %slice3A_382 = vector.extract_strided_slice %slice3A_352 {offsets = [0, 120], sizes = [512, 8], strides = [1, 1]} : vector<512x128xf32> to vector<512x8xf32>
    %add3A_383 = arith.addf %add3A_381, %slice3A_382 : vector<512x8xf32>
    %slice3A_384 = vector.extract_strided_slice %add3A_383 {offsets = [0, 0], sizes = [512, 4], strides = [1, 1]} : vector<512x8xf32> to vector<512x4xf32>
    %slice3A_385 = vector.extract_strided_slice %add3A_383 {offsets = [0, 4], sizes = [512, 4], strides = [1, 1]} : vector<512x8xf32> to vector<512x4xf32>
    %add3A_386 = arith.addf %slice3A_384, %slice3A_385 : vector<512x4xf32>
    %slice3A_387 = vector.extract_strided_slice %add3A_386 {offsets = [0, 0], sizes = [512, 2], strides = [1, 1]} : vector<512x4xf32> to vector<512x2xf32>
    %slice3A_388 = vector.extract_strided_slice %add3A_386 {offsets = [0, 2], sizes = [512, 2], strides = [1, 1]} : vector<512x4xf32> to vector<512x2xf32>
    %add3A_389 = arith.addf %slice3A_387, %slice3A_388 : vector<512x2xf32>
    %slice3A_390 = vector.extract_strided_slice %add3A_389 {offsets = [0, 0], sizes = [512, 1], strides = [1, 1]} : vector<512x2xf32> to vector<512x1xf32>
    %slice3A_391 = vector.extract_strided_slice %add3A_389 {offsets = [0, 1], sizes = [512, 1], strides = [1, 1]} : vector<512x2xf32> to vector<512x1xf32>
    %add3A_392 = arith.addf %slice3A_390, %slice3A_391 : vector<512x1xf32>
    %slice3A_393 = vector.extract_strided_slice %mul3A_351 {offsets = [0, 128], sizes = [512, 128], strides = [1, 1]} : vector<512x256xf32> to vector<512x128xf32>
    %slice3A_394 = vector.extract_strided_slice %slice3A_393 {offsets = [0, 0], sizes = [512, 8], strides = [1, 1]} : vector<512x128xf32> to vector<512x8xf32>
    %slice3A_395 = vector.extract_strided_slice %slice3A_393 {offsets = [0, 8], sizes = [512, 8], strides = [1, 1]} : vector<512x128xf32> to vector<512x8xf32>
    %add3A_396 = arith.addf %slice3A_394, %slice3A_395 : vector<512x8xf32>
    %slice3A_397 = vector.extract_strided_slice %slice3A_393 {offsets = [0, 16], sizes = [512, 8], strides = [1, 1]} : vector<512x128xf32> to vector<512x8xf32>
    %add3A_398 = arith.addf %add3A_396, %slice3A_397 : vector<512x8xf32>
    %slice3A_399 = vector.extract_strided_slice %slice3A_393 {offsets = [0, 24], sizes = [512, 8], strides = [1, 1]} : vector<512x128xf32> to vector<512x8xf32>
    %add3A_400 = arith.addf %add3A_398, %slice3A_399 : vector<512x8xf32>
    %slice3A_401 = vector.extract_strided_slice %slice3A_393 {offsets = [0, 32], sizes = [512, 8], strides = [1, 1]} : vector<512x128xf32> to vector<512x8xf32>
    %add3A_402 = arith.addf %add3A_400, %slice3A_401 : vector<512x8xf32>
    %slice3A_403 = vector.extract_strided_slice %slice3A_393 {offsets = [0, 40], sizes = [512, 8], strides = [1, 1]} : vector<512x128xf32> to vector<512x8xf32>
    %add3A_404 = arith.addf %add3A_402, %slice3A_403 : vector<512x8xf32>
    %slice3A_405 = vector.extract_strided_slice %slice3A_393 {offsets = [0, 48], sizes = [512, 8], strides = [1, 1]} : vector<512x128xf32> to vector<512x8xf32>
    %add3A_406 = arith.addf %add3A_404, %slice3A_405 : vector<512x8xf32>
    %slice3A_407 = vector.extract_strided_slice %slice3A_393 {offsets = [0, 56], sizes = [512, 8], strides = [1, 1]} : vector<512x128xf32> to vector<512x8xf32>
    %add3A_408 = arith.addf %add3A_406, %slice3A_407 : vector<512x8xf32>
    %slice3A_409 = vector.extract_strided_slice %slice3A_393 {offsets = [0, 64], sizes = [512, 8], strides = [1, 1]} : vector<512x128xf32> to vector<512x8xf32>
    %add3A_410 = arith.addf %add3A_408, %slice3A_409 : vector<512x8xf32>
    %slice3A_411 = vector.extract_strided_slice %slice3A_393 {offsets = [0, 72], sizes = [512, 8], strides = [1, 1]} : vector<512x128xf32> to vector<512x8xf32>
    %add3A_412 = arith.addf %add3A_410, %slice3A_411 : vector<512x8xf32>
    %slice3A_413 = vector.extract_strided_slice %slice3A_393 {offsets = [0, 80], sizes = [512, 8], strides = [1, 1]} : vector<512x128xf32> to vector<512x8xf32>
    %add3A_414 = arith.addf %add3A_412, %slice3A_413 : vector<512x8xf32>
    %slice3A_415 = vector.extract_strided_slice %slice3A_393 {offsets = [0, 88], sizes = [512, 8], strides = [1, 1]} : vector<512x128xf32> to vector<512x8xf32>
    %add3A_416 = arith.addf %add3A_414, %slice3A_415 : vector<512x8xf32>
    %slice3A_417 = vector.extract_strided_slice %slice3A_393 {offsets = [0, 96], sizes = [512, 8], strides = [1, 1]} : vector<512x128xf32> to vector<512x8xf32>
    %add3A_418 = arith.addf %add3A_416, %slice3A_417 : vector<512x8xf32>
    %slice3A_419 = vector.extract_strided_slice %slice3A_393 {offsets = [0, 104], sizes = [512, 8], strides = [1, 1]} : vector<512x128xf32> to vector<512x8xf32>
    %add3A_420 = arith.addf %add3A_418, %slice3A_419 : vector<512x8xf32>
    %slice3A_421 = vector.extract_strided_slice %slice3A_393 {offsets = [0, 112], sizes = [512, 8], strides = [1, 1]} : vector<512x128xf32> to vector<512x8xf32>
    %add3A_422 = arith.addf %add3A_420, %slice3A_421 : vector<512x8xf32>
    %slice3A_423 = vector.extract_strided_slice %slice3A_393 {offsets = [0, 120], sizes = [512, 8], strides = [1, 1]} : vector<512x128xf32> to vector<512x8xf32>
    %add3A_424 = arith.addf %add3A_422, %slice3A_423 : vector<512x8xf32>
    %slice3A_425 = vector.extract_strided_slice %add3A_424 {offsets = [0, 0], sizes = [512, 4], strides = [1, 1]} : vector<512x8xf32> to vector<512x4xf32>
    %slice3A_426 = vector.extract_strided_slice %add3A_424 {offsets = [0, 4], sizes = [512, 4], strides = [1, 1]} : vector<512x8xf32> to vector<512x4xf32>
    %add3A_427 = arith.addf %slice3A_425, %slice3A_426 : vector<512x4xf32>
    %slice3A_428 = vector.extract_strided_slice %add3A_427 {offsets = [0, 0], sizes = [512, 2], strides = [1, 1]} : vector<512x4xf32> to vector<512x2xf32>
    %slice3A_429 = vector.extract_strided_slice %add3A_427 {offsets = [0, 2], sizes = [512, 2], strides = [1, 1]} : vector<512x4xf32> to vector<512x2xf32>
    %add3A_430 = arith.addf %slice3A_428, %slice3A_429 : vector<512x2xf32>
    %slice3A_431 = vector.extract_strided_slice %add3A_430 {offsets = [0, 0], sizes = [512, 1], strides = [1, 1]} : vector<512x2xf32> to vector<512x1xf32>
    %slice3A_432 = vector.extract_strided_slice %add3A_430 {offsets = [0, 1], sizes = [512, 1], strides = [1, 1]} : vector<512x2xf32> to vector<512x1xf32>
    %add3A_433 = arith.addf %slice3A_431, %slice3A_432 : vector<512x1xf32>
    %add3A_434 = arith.addf %add3A_392, %add3A_433 : vector<512x1xf32>
    %reduce_min3A_435 = arith.constant dense<0x7F800000> : vector<512xf32>
    %reduce_min3A_436 = vector.multi_reduction <minimumf>, %select_n3A_343, %reduce_min3A_435 [1] : vector<512x512xf32> to vector<512xf32>
    %broadcast_in_dim3A_437 = vector.shape_cast %reduce_min3A_436 : vector<512xf32> to vector<512x1xf32>
    %eq3A_438 = vector.broadcast %broadcast_in_dim3A_437 : vector<512x1xf32> to vector<512x512xf32>
    %eq3A_439 = arith.cmpf oeq, %select_n3A_343, %eq3A_438 : vector<512x512xf32>
    %jit3A_440 = arith.constant 512 : i32
    %broadcast_in_dim3A_441 = vector.broadcast %jit3A_440 : i32 to vector<512x512xi32>
    %select_n3A_442 = arith.select %eq3A_439, %iota3A, %broadcast_in_dim3A_441 : vector<512x512xi1>, vector<512x512xi32>
    %reduce_min3A_443 = arith.constant dense<2147483647> : vector<512xi32>
    %reduce_min3A_444 = vector.multi_reduction <minsi>, %select_n3A_442, %reduce_min3A_443 [1] : vector<512x512xi32> to vector<512xi32>
    %broadcast_in_dim3A_445 = vector.shape_cast %reduce_min3A_444 : vector<512xi32> to vector<512x1xi32>
    %eq3A_446 = vector.broadcast %broadcast_in_dim3A_445 : vector<512x1xi32> to vector<512x512xi32>
    %eq3A_447 = arith.cmpi eq, %iota3A, %eq3A_446 : vector<512x512xi32>
    %jit3A_448 = arith.constant 0x7F800000 : f32
    %broadcast_in_dim3A_449 = vector.broadcast %jit3A_448 : f32 to vector<512x512xf32>
    %select_n3A_450 = arith.select %eq3A_447, %broadcast_in_dim3A_449, %select_n3A_343 : vector<512x512xi1>, vector<512x512xf32>
    %eq3A_451 = vector.broadcast %broadcast_in_dim3A_445 : vector<512x1xi32> to vector<512x512xi32>
    %eq3A_452 = arith.cmpi eq, %iota3A, %eq3A_451 : vector<512x512xi32>
    %convert_element_type3A_453 = arith.extui %eq3A_452 : vector<512x512xi1> to vector<512x512xi32>
    %convert_element_type3A_454 = arith.sitofp %convert_element_type3A_453 : vector<512x512xi32> to vector<512x512xf32>
    %dot_general3A_455 = arith.constant dense<0.000000e+00> : vector<512x256xf32>
    %dot_general3A_456 = tpu.matmul %convert_element_type3A_454, %get3A_7, %dot_general3A_455 {dimension_numbers = #tpu.dot_dimension_numbers<[1], [0], [0], [1], [0, 0, 1, 1], [], []>, precision = #tpu.contract_precision<fp32>, transpose_lhs_hint = false} : vector<512x512xf32>, vector<512x256xf32>, vector<512x256xf32> -> vector<512x256xf32>
    %sub3A_457 = arith.subf %get3A_1, %dot_general3A_456 : vector<512x256xf32>
    %mul3A_458 = arith.mulf %sub3A_457, %sub3A_457 : vector<512x256xf32>
    %slice3A_459 = vector.extract_strided_slice %mul3A_458 {offsets = [0, 0], sizes = [512, 128], strides = [1, 1]} : vector<512x256xf32> to vector<512x128xf32>
    %slice3A_460 = vector.extract_strided_slice %slice3A_459 {offsets = [0, 0], sizes = [512, 8], strides = [1, 1]} : vector<512x128xf32> to vector<512x8xf32>
    %slice3A_461 = vector.extract_strided_slice %slice3A_459 {offsets = [0, 8], sizes = [512, 8], strides = [1, 1]} : vector<512x128xf32> to vector<512x8xf32>
    %add3A_462 = arith.addf %slice3A_460, %slice3A_461 : vector<512x8xf32>
    %slice3A_463 = vector.extract_strided_slice %slice3A_459 {offsets = [0, 16], sizes = [512, 8], strides = [1, 1]} : vector<512x128xf32> to vector<512x8xf32>
    %add3A_464 = arith.addf %add3A_462, %slice3A_463 : vector<512x8xf32>
    %slice3A_465 = vector.extract_strided_slice %slice3A_459 {offsets = [0, 24], sizes = [512, 8], strides = [1, 1]} : vector<512x128xf32> to vector<512x8xf32>
    %add3A_466 = arith.addf %add3A_464, %slice3A_465 : vector<512x8xf32>
    %slice3A_467 = vector.extract_strided_slice %slice3A_459 {offsets = [0, 32], sizes = [512, 8], strides = [1, 1]} : vector<512x128xf32> to vector<512x8xf32>
    %add3A_468 = arith.addf %add3A_466, %slice3A_467 : vector<512x8xf32>
    %slice3A_469 = vector.extract_strided_slice %slice3A_459 {offsets = [0, 40], sizes = [512, 8], strides = [1, 1]} : vector<512x128xf32> to vector<512x8xf32>
    %add3A_470 = arith.addf %add3A_468, %slice3A_469 : vector<512x8xf32>
    %slice3A_471 = vector.extract_strided_slice %slice3A_459 {offsets = [0, 48], sizes = [512, 8], strides = [1, 1]} : vector<512x128xf32> to vector<512x8xf32>
    %add3A_472 = arith.addf %add3A_470, %slice3A_471 : vector<512x8xf32>
    %slice3A_473 = vector.extract_strided_slice %slice3A_459 {offsets = [0, 56], sizes = [512, 8], strides = [1, 1]} : vector<512x128xf32> to vector<512x8xf32>
    %add3A_474 = arith.addf %add3A_472, %slice3A_473 : vector<512x8xf32>
    %slice3A_475 = vector.extract_strided_slice %slice3A_459 {offsets = [0, 64], sizes = [512, 8], strides = [1, 1]} : vector<512x128xf32> to vector<512x8xf32>
    %add3A_476 = arith.addf %add3A_474, %slice3A_475 : vector<512x8xf32>
    %slice3A_477 = vector.extract_strided_slice %slice3A_459 {offsets = [0, 72], sizes = [512, 8], strides = [1, 1]} : vector<512x128xf32> to vector<512x8xf32>
    %add3A_478 = arith.addf %add3A_476, %slice3A_477 : vector<512x8xf32>
    %slice3A_479 = vector.extract_strided_slice %slice3A_459 {offsets = [0, 80], sizes = [512, 8], strides = [1, 1]} : vector<512x128xf32> to vector<512x8xf32>
    %add3A_480 = arith.addf %add3A_478, %slice3A_479 : vector<512x8xf32>
    %slice3A_481 = vector.extract_strided_slice %slice3A_459 {offsets = [0, 88], sizes = [512, 8], strides = [1, 1]} : vector<512x128xf32> to vector<512x8xf32>
    %add3A_482 = arith.addf %add3A_480, %slice3A_481 : vector<512x8xf32>
    %slice3A_483 = vector.extract_strided_slice %slice3A_459 {offsets = [0, 96], sizes = [512, 8], strides = [1, 1]} : vector<512x128xf32> to vector<512x8xf32>
    %add3A_484 = arith.addf %add3A_482, %slice3A_483 : vector<512x8xf32>
    %slice3A_485 = vector.extract_strided_slice %slice3A_459 {offsets = [0, 104], sizes = [512, 8], strides = [1, 1]} : vector<512x128xf32> to vector<512x8xf32>
    %add3A_486 = arith.addf %add3A_484, %slice3A_485 : vector<512x8xf32>
    %slice3A_487 = vector.extract_strided_slice %slice3A_459 {offsets = [0, 112], sizes = [512, 8], strides = [1, 1]} : vector<512x128xf32> to vector<512x8xf32>
    %add3A_488 = arith.addf %add3A_486, %slice3A_487 : vector<512x8xf32>
    %slice3A_489 = vector.extract_strided_slice %slice3A_459 {offsets = [0, 120], sizes = [512, 8], strides = [1, 1]} : vector<512x128xf32> to vector<512x8xf32>
    %add3A_490 = arith.addf %add3A_488, %slice3A_489 : vector<512x8xf32>
    %slice3A_491 = vector.extract_strided_slice %add3A_490 {offsets = [0, 0], sizes = [512, 4], strides = [1, 1]} : vector<512x8xf32> to vector<512x4xf32>
    %slice3A_492 = vector.extract_strided_slice %add3A_490 {offsets = [0, 4], sizes = [512, 4], strides = [1, 1]} : vector<512x8xf32> to vector<512x4xf32>
    %add3A_493 = arith.addf %slice3A_491, %slice3A_492 : vector<512x4xf32>
    %slice3A_494 = vector.extract_strided_slice %add3A_493 {offsets = [0, 0], sizes = [512, 2], strides = [1, 1]} : vector<512x4xf32> to vector<512x2xf32>
    %slice3A_495 = vector.extract_strided_slice %add3A_493 {offsets = [0, 2], sizes = [512, 2], strides = [1, 1]} : vector<512x4xf32> to vector<512x2xf32>
    %add3A_496 = arith.addf %slice3A_494, %slice3A_495 : vector<512x2xf32>
    %slice3A_497 = vector.extract_strided_slice %add3A_496 {offsets = [0, 0], sizes = [512, 1], strides = [1, 1]} : vector<512x2xf32> to vector<512x1xf32>
    %slice3A_498 = vector.extract_strided_slice %add3A_496 {offsets = [0, 1], sizes = [512, 1], strides = [1, 1]} : vector<512x2xf32> to vector<512x1xf32>
    %add3A_499 = arith.addf %slice3A_497, %slice3A_498 : vector<512x1xf32>
    %slice3A_500 = vector.extract_strided_slice %mul3A_458 {offsets = [0, 128], sizes = [512, 128], strides = [1, 1]} : vector<512x256xf32> to vector<512x128xf32>
    %slice3A_501 = vector.extract_strided_slice %slice3A_500 {offsets = [0, 0], sizes = [512, 8], strides = [1, 1]} : vector<512x128xf32> to vector<512x8xf32>
    %slice3A_502 = vector.extract_strided_slice %slice3A_500 {offsets = [0, 8], sizes = [512, 8], strides = [1, 1]} : vector<512x128xf32> to vector<512x8xf32>
    %add3A_503 = arith.addf %slice3A_501, %slice3A_502 : vector<512x8xf32>
    %slice3A_504 = vector.extract_strided_slice %slice3A_500 {offsets = [0, 16], sizes = [512, 8], strides = [1, 1]} : vector<512x128xf32> to vector<512x8xf32>
    %add3A_505 = arith.addf %add3A_503, %slice3A_504 : vector<512x8xf32>
    %slice3A_506 = vector.extract_strided_slice %slice3A_500 {offsets = [0, 24], sizes = [512, 8], strides = [1, 1]} : vector<512x128xf32> to vector<512x8xf32>
    %add3A_507 = arith.addf %add3A_505, %slice3A_506 : vector<512x8xf32>
    %slice3A_508 = vector.extract_strided_slice %slice3A_500 {offsets = [0, 32], sizes = [512, 8], strides = [1, 1]} : vector<512x128xf32> to vector<512x8xf32>
    %add3A_509 = arith.addf %add3A_507, %slice3A_508 : vector<512x8xf32>
    %slice3A_510 = vector.extract_strided_slice %slice3A_500 {offsets = [0, 40], sizes = [512, 8], strides = [1, 1]} : vector<512x128xf32> to vector<512x8xf32>
    %add3A_511 = arith.addf %add3A_509, %slice3A_510 : vector<512x8xf32>
    %slice3A_512 = vector.extract_strided_slice %slice3A_500 {offsets = [0, 48], sizes = [512, 8], strides = [1, 1]} : vector<512x128xf32> to vector<512x8xf32>
    %add3A_513 = arith.addf %add3A_511, %slice3A_512 : vector<512x8xf32>
    %slice3A_514 = vector.extract_strided_slice %slice3A_500 {offsets = [0, 56], sizes = [512, 8], strides = [1, 1]} : vector<512x128xf32> to vector<512x8xf32>
    %add3A_515 = arith.addf %add3A_513, %slice3A_514 : vector<512x8xf32>
    %slice3A_516 = vector.extract_strided_slice %slice3A_500 {offsets = [0, 64], sizes = [512, 8], strides = [1, 1]} : vector<512x128xf32> to vector<512x8xf32>
    %add3A_517 = arith.addf %add3A_515, %slice3A_516 : vector<512x8xf32>
    %slice3A_518 = vector.extract_strided_slice %slice3A_500 {offsets = [0, 72], sizes = [512, 8], strides = [1, 1]} : vector<512x128xf32> to vector<512x8xf32>
    %add3A_519 = arith.addf %add3A_517, %slice3A_518 : vector<512x8xf32>
    %slice3A_520 = vector.extract_strided_slice %slice3A_500 {offsets = [0, 80], sizes = [512, 8], strides = [1, 1]} : vector<512x128xf32> to vector<512x8xf32>
    %add3A_521 = arith.addf %add3A_519, %slice3A_520 : vector<512x8xf32>
    %slice3A_522 = vector.extract_strided_slice %slice3A_500 {offsets = [0, 88], sizes = [512, 8], strides = [1, 1]} : vector<512x128xf32> to vector<512x8xf32>
    %add3A_523 = arith.addf %add3A_521, %slice3A_522 : vector<512x8xf32>
    %slice3A_524 = vector.extract_strided_slice %slice3A_500 {offsets = [0, 96], sizes = [512, 8], strides = [1, 1]} : vector<512x128xf32> to vector<512x8xf32>
    %add3A_525 = arith.addf %add3A_523, %slice3A_524 : vector<512x8xf32>
    %slice3A_526 = vector.extract_strided_slice %slice3A_500 {offsets = [0, 104], sizes = [512, 8], strides = [1, 1]} : vector<512x128xf32> to vector<512x8xf32>
    %add3A_527 = arith.addf %add3A_525, %slice3A_526 : vector<512x8xf32>
    %slice3A_528 = vector.extract_strided_slice %slice3A_500 {offsets = [0, 112], sizes = [512, 8], strides = [1, 1]} : vector<512x128xf32> to vector<512x8xf32>
    %add3A_529 = arith.addf %add3A_527, %slice3A_528 : vector<512x8xf32>
    %slice3A_530 = vector.extract_strided_slice %slice3A_500 {offsets = [0, 120], sizes = [512, 8], strides = [1, 1]} : vector<512x128xf32> to vector<512x8xf32>
    %add3A_531 = arith.addf %add3A_529, %slice3A_530 : vector<512x8xf32>
    %slice3A_532 = vector.extract_strided_slice %add3A_531 {offsets = [0, 0], sizes = [512, 4], strides = [1, 1]} : vector<512x8xf32> to vector<512x4xf32>
    %slice3A_533 = vector.extract_strided_slice %add3A_531 {offsets = [0, 4], sizes = [512, 4], strides = [1, 1]} : vector<512x8xf32> to vector<512x4xf32>
    %add3A_534 = arith.addf %slice3A_532, %slice3A_533 : vector<512x4xf32>
    %slice3A_535 = vector.extract_strided_slice %add3A_534 {offsets = [0, 0], sizes = [512, 2], strides = [1, 1]} : vector<512x4xf32> to vector<512x2xf32>
    %slice3A_536 = vector.extract_strided_slice %add3A_534 {offsets = [0, 2], sizes = [512, 2], strides = [1, 1]} : vector<512x4xf32> to vector<512x2xf32>
    %add3A_537 = arith.addf %slice3A_535, %slice3A_536 : vector<512x2xf32>
    %slice3A_538 = vector.extract_strided_slice %add3A_537 {offsets = [0, 0], sizes = [512, 1], strides = [1, 1]} : vector<512x2xf32> to vector<512x1xf32>
    %slice3A_539 = vector.extract_strided_slice %add3A_537 {offsets = [0, 1], sizes = [512, 1], strides = [1, 1]} : vector<512x2xf32> to vector<512x1xf32>
    %add3A_540 = arith.addf %slice3A_538, %slice3A_539 : vector<512x1xf32>
    %add3A_541 = arith.addf %add3A_499, %add3A_540 : vector<512x1xf32>
    %reduce_min3A_542 = arith.constant dense<0x7F800000> : vector<512xf32>
    %reduce_min3A_543 = vector.multi_reduction <minimumf>, %select_n3A_450, %reduce_min3A_542 [1] : vector<512x512xf32> to vector<512xf32>
    %broadcast_in_dim3A_544 = vector.shape_cast %reduce_min3A_543 : vector<512xf32> to vector<512x1xf32>
    %eq3A_545 = vector.broadcast %broadcast_in_dim3A_544 : vector<512x1xf32> to vector<512x512xf32>
    %eq3A_546 = arith.cmpf oeq, %select_n3A_450, %eq3A_545 : vector<512x512xf32>
    %jit3A_547 = arith.constant 512 : i32
    %broadcast_in_dim3A_548 = vector.broadcast %jit3A_547 : i32 to vector<512x512xi32>
    %select_n3A_549 = arith.select %eq3A_546, %iota3A, %broadcast_in_dim3A_548 : vector<512x512xi1>, vector<512x512xi32>
    %reduce_min3A_550 = arith.constant dense<2147483647> : vector<512xi32>
    %reduce_min3A_551 = vector.multi_reduction <minsi>, %select_n3A_549, %reduce_min3A_550 [1] : vector<512x512xi32> to vector<512xi32>
    %broadcast_in_dim3A_552 = vector.shape_cast %reduce_min3A_551 : vector<512xi32> to vector<512x1xi32>
    %eq3A_553 = vector.broadcast %broadcast_in_dim3A_552 : vector<512x1xi32> to vector<512x512xi32>
    %eq3A_554 = arith.cmpi eq, %iota3A, %eq3A_553 : vector<512x512xi32>
    %jit3A_555 = arith.constant 0x7F800000 : f32
    %broadcast_in_dim3A_556 = vector.broadcast %jit3A_555 : f32 to vector<512x512xf32>
    %select_n3A_557 = arith.select %eq3A_554, %broadcast_in_dim3A_556, %select_n3A_450 : vector<512x512xi1>, vector<512x512xf32>
    %eq3A_558 = vector.broadcast %broadcast_in_dim3A_552 : vector<512x1xi32> to vector<512x512xi32>
    %eq3A_559 = arith.cmpi eq, %iota3A, %eq3A_558 : vector<512x512xi32>
    %convert_element_type3A_560 = arith.extui %eq3A_559 : vector<512x512xi1> to vector<512x512xi32>
    %convert_element_type3A_561 = arith.sitofp %convert_element_type3A_560 : vector<512x512xi32> to vector<512x512xf32>
    %dot_general3A_562 = arith.constant dense<0.000000e+00> : vector<512x256xf32>
    %dot_general3A_563 = tpu.matmul %convert_element_type3A_561, %get3A_7, %dot_general3A_562 {dimension_numbers = #tpu.dot_dimension_numbers<[1], [0], [0], [1], [0, 0, 1, 1], [], []>, precision = #tpu.contract_precision<fp32>, transpose_lhs_hint = false} : vector<512x512xf32>, vector<512x256xf32>, vector<512x256xf32> -> vector<512x256xf32>
    %sub3A_564 = arith.subf %get3A_1, %dot_general3A_563 : vector<512x256xf32>
    %mul3A_565 = arith.mulf %sub3A_564, %sub3A_564 : vector<512x256xf32>
    %slice3A_566 = vector.extract_strided_slice %mul3A_565 {offsets = [0, 0], sizes = [512, 128], strides = [1, 1]} : vector<512x256xf32> to vector<512x128xf32>
    %slice3A_567 = vector.extract_strided_slice %slice3A_566 {offsets = [0, 0], sizes = [512, 8], strides = [1, 1]} : vector<512x128xf32> to vector<512x8xf32>
    %slice3A_568 = vector.extract_strided_slice %slice3A_566 {offsets = [0, 8], sizes = [512, 8], strides = [1, 1]} : vector<512x128xf32> to vector<512x8xf32>
    %add3A_569 = arith.addf %slice3A_567, %slice3A_568 : vector<512x8xf32>
    %slice3A_570 = vector.extract_strided_slice %slice3A_566 {offsets = [0, 16], sizes = [512, 8], strides = [1, 1]} : vector<512x128xf32> to vector<512x8xf32>
    %add3A_571 = arith.addf %add3A_569, %slice3A_570 : vector<512x8xf32>
    %slice3A_572 = vector.extract_strided_slice %slice3A_566 {offsets = [0, 24], sizes = [512, 8], strides = [1, 1]} : vector<512x128xf32> to vector<512x8xf32>
    %add3A_573 = arith.addf %add3A_571, %slice3A_572 : vector<512x8xf32>
    %slice3A_574 = vector.extract_strided_slice %slice3A_566 {offsets = [0, 32], sizes = [512, 8], strides = [1, 1]} : vector<512x128xf32> to vector<512x8xf32>
    %add3A_575 = arith.addf %add3A_573, %slice3A_574 : vector<512x8xf32>
    %slice3A_576 = vector.extract_strided_slice %slice3A_566 {offsets = [0, 40], sizes = [512, 8], strides = [1, 1]} : vector<512x128xf32> to vector<512x8xf32>
    %add3A_577 = arith.addf %add3A_575, %slice3A_576 : vector<512x8xf32>
    %slice3A_578 = vector.extract_strided_slice %slice3A_566 {offsets = [0, 48], sizes = [512, 8], strides = [1, 1]} : vector<512x128xf32> to vector<512x8xf32>
    %add3A_579 = arith.addf %add3A_577, %slice3A_578 : vector<512x8xf32>
    %slice3A_580 = vector.extract_strided_slice %slice3A_566 {offsets = [0, 56], sizes = [512, 8], strides = [1, 1]} : vector<512x128xf32> to vector<512x8xf32>
    %add3A_581 = arith.addf %add3A_579, %slice3A_580 : vector<512x8xf32>
    %slice3A_582 = vector.extract_strided_slice %slice3A_566 {offsets = [0, 64], sizes = [512, 8], strides = [1, 1]} : vector<512x128xf32> to vector<512x8xf32>
    %add3A_583 = arith.addf %add3A_581, %slice3A_582 : vector<512x8xf32>
    %slice3A_584 = vector.extract_strided_slice %slice3A_566 {offsets = [0, 72], sizes = [512, 8], strides = [1, 1]} : vector<512x128xf32> to vector<512x8xf32>
    %add3A_585 = arith.addf %add3A_583, %slice3A_584 : vector<512x8xf32>
    %slice3A_586 = vector.extract_strided_slice %slice3A_566 {offsets = [0, 80], sizes = [512, 8], strides = [1, 1]} : vector<512x128xf32> to vector<512x8xf32>
    %add3A_587 = arith.addf %add3A_585, %slice3A_586 : vector<512x8xf32>
    %slice3A_588 = vector.extract_strided_slice %slice3A_566 {offsets = [0, 88], sizes = [512, 8], strides = [1, 1]} : vector<512x128xf32> to vector<512x8xf32>
    %add3A_589 = arith.addf %add3A_587, %slice3A_588 : vector<512x8xf32>
    %slice3A_590 = vector.extract_strided_slice %slice3A_566 {offsets = [0, 96], sizes = [512, 8], strides = [1, 1]} : vector<512x128xf32> to vector<512x8xf32>
    %add3A_591 = arith.addf %add3A_589, %slice3A_590 : vector<512x8xf32>
    %slice3A_592 = vector.extract_strided_slice %slice3A_566 {offsets = [0, 104], sizes = [512, 8], strides = [1, 1]} : vector<512x128xf32> to vector<512x8xf32>
    %add3A_593 = arith.addf %add3A_591, %slice3A_592 : vector<512x8xf32>
    %slice3A_594 = vector.extract_strided_slice %slice3A_566 {offsets = [0, 112], sizes = [512, 8], strides = [1, 1]} : vector<512x128xf32> to vector<512x8xf32>
    %add3A_595 = arith.addf %add3A_593, %slice3A_594 : vector<512x8xf32>
    %slice3A_596 = vector.extract_strided_slice %slice3A_566 {offsets = [0, 120], sizes = [512, 8], strides = [1, 1]} : vector<512x128xf32> to vector<512x8xf32>
    %add3A_597 = arith.addf %add3A_595, %slice3A_596 : vector<512x8xf32>
    %slice3A_598 = vector.extract_strided_slice %add3A_597 {offsets = [0, 0], sizes = [512, 4], strides = [1, 1]} : vector<512x8xf32> to vector<512x4xf32>
    %slice3A_599 = vector.extract_strided_slice %add3A_597 {offsets = [0, 4], sizes = [512, 4], strides = [1, 1]} : vector<512x8xf32> to vector<512x4xf32>
    %add3A_600 = arith.addf %slice3A_598, %slice3A_599 : vector<512x4xf32>
    %slice3A_601 = vector.extract_strided_slice %add3A_600 {offsets = [0, 0], sizes = [512, 2], strides = [1, 1]} : vector<512x4xf32> to vector<512x2xf32>
    %slice3A_602 = vector.extract_strided_slice %add3A_600 {offsets = [0, 2], sizes = [512, 2], strides = [1, 1]} : vector<512x4xf32> to vector<512x2xf32>
    %add3A_603 = arith.addf %slice3A_601, %slice3A_602 : vector<512x2xf32>
    %slice3A_604 = vector.extract_strided_slice %add3A_603 {offsets = [0, 0], sizes = [512, 1], strides = [1, 1]} : vector<512x2xf32> to vector<512x1xf32>
    %slice3A_605 = vector.extract_strided_slice %add3A_603 {offsets = [0, 1], sizes = [512, 1], strides = [1, 1]} : vector<512x2xf32> to vector<512x1xf32>
    %add3A_606 = arith.addf %slice3A_604, %slice3A_605 : vector<512x1xf32>
    %slice3A_607 = vector.extract_strided_slice %mul3A_565 {offsets = [0, 128], sizes = [512, 128], strides = [1, 1]} : vector<512x256xf32> to vector<512x128xf32>
    %slice3A_608 = vector.extract_strided_slice %slice3A_607 {offsets = [0, 0], sizes = [512, 8], strides = [1, 1]} : vector<512x128xf32> to vector<512x8xf32>
    %slice3A_609 = vector.extract_strided_slice %slice3A_607 {offsets = [0, 8], sizes = [512, 8], strides = [1, 1]} : vector<512x128xf32> to vector<512x8xf32>
    %add3A_610 = arith.addf %slice3A_608, %slice3A_609 : vector<512x8xf32>
    %slice3A_611 = vector.extract_strided_slice %slice3A_607 {offsets = [0, 16], sizes = [512, 8], strides = [1, 1]} : vector<512x128xf32> to vector<512x8xf32>
    %add3A_612 = arith.addf %add3A_610, %slice3A_611 : vector<512x8xf32>
    %slice3A_613 = vector.extract_strided_slice %slice3A_607 {offsets = [0, 24], sizes = [512, 8], strides = [1, 1]} : vector<512x128xf32> to vector<512x8xf32>
    %add3A_614 = arith.addf %add3A_612, %slice3A_613 : vector<512x8xf32>
    %slice3A_615 = vector.extract_strided_slice %slice3A_607 {offsets = [0, 32], sizes = [512, 8], strides = [1, 1]} : vector<512x128xf32> to vector<512x8xf32>
    %add3A_616 = arith.addf %add3A_614, %slice3A_615 : vector<512x8xf32>
    %slice3A_617 = vector.extract_strided_slice %slice3A_607 {offsets = [0, 40], sizes = [512, 8], strides = [1, 1]} : vector<512x128xf32> to vector<512x8xf32>
    %add3A_618 = arith.addf %add3A_616, %slice3A_617 : vector<512x8xf32>
    %slice3A_619 = vector.extract_strided_slice %slice3A_607 {offsets = [0, 48], sizes = [512, 8], strides = [1, 1]} : vector<512x128xf32> to vector<512x8xf32>
    %add3A_620 = arith.addf %add3A_618, %slice3A_619 : vector<512x8xf32>
    %slice3A_621 = vector.extract_strided_slice %slice3A_607 {offsets = [0, 56], sizes = [512, 8], strides = [1, 1]} : vector<512x128xf32> to vector<512x8xf32>
    %add3A_622 = arith.addf %add3A_620, %slice3A_621 : vector<512x8xf32>
    %slice3A_623 = vector.extract_strided_slice %slice3A_607 {offsets = [0, 64], sizes = [512, 8], strides = [1, 1]} : vector<512x128xf32> to vector<512x8xf32>
    %add3A_624 = arith.addf %add3A_622, %slice3A_623 : vector<512x8xf32>
    %slice3A_625 = vector.extract_strided_slice %slice3A_607 {offsets = [0, 72], sizes = [512, 8], strides = [1, 1]} : vector<512x128xf32> to vector<512x8xf32>
    %add3A_626 = arith.addf %add3A_624, %slice3A_625 : vector<512x8xf32>
    %slice3A_627 = vector.extract_strided_slice %slice3A_607 {offsets = [0, 80], sizes = [512, 8], strides = [1, 1]} : vector<512x128xf32> to vector<512x8xf32>
    %add3A_628 = arith.addf %add3A_626, %slice3A_627 : vector<512x8xf32>
    %slice3A_629 = vector.extract_strided_slice %slice3A_607 {offsets = [0, 88], sizes = [512, 8], strides = [1, 1]} : vector<512x128xf32> to vector<512x8xf32>
    %add3A_630 = arith.addf %add3A_628, %slice3A_629 : vector<512x8xf32>
    %slice3A_631 = vector.extract_strided_slice %slice3A_607 {offsets = [0, 96], sizes = [512, 8], strides = [1, 1]} : vector<512x128xf32> to vector<512x8xf32>
    %add3A_632 = arith.addf %add3A_630, %slice3A_631 : vector<512x8xf32>
    %slice3A_633 = vector.extract_strided_slice %slice3A_607 {offsets = [0, 104], sizes = [512, 8], strides = [1, 1]} : vector<512x128xf32> to vector<512x8xf32>
    %add3A_634 = arith.addf %add3A_632, %slice3A_633 : vector<512x8xf32>
    %slice3A_635 = vector.extract_strided_slice %slice3A_607 {offsets = [0, 112], sizes = [512, 8], strides = [1, 1]} : vector<512x128xf32> to vector<512x8xf32>
    %add3A_636 = arith.addf %add3A_634, %slice3A_635 : vector<512x8xf32>
    %slice3A_637 = vector.extract_strided_slice %slice3A_607 {offsets = [0, 120], sizes = [512, 8], strides = [1, 1]} : vector<512x128xf32> to vector<512x8xf32>
    %add3A_638 = arith.addf %add3A_636, %slice3A_637 : vector<512x8xf32>
    %slice3A_639 = vector.extract_strided_slice %add3A_638 {offsets = [0, 0], sizes = [512, 4], strides = [1, 1]} : vector<512x8xf32> to vector<512x4xf32>
    %slice3A_640 = vector.extract_strided_slice %add3A_638 {offsets = [0, 4], sizes = [512, 4], strides = [1, 1]} : vector<512x8xf32> to vector<512x4xf32>
    %add3A_641 = arith.addf %slice3A_639, %slice3A_640 : vector<512x4xf32>
    %slice3A_642 = vector.extract_strided_slice %add3A_641 {offsets = [0, 0], sizes = [512, 2], strides = [1, 1]} : vector<512x4xf32> to vector<512x2xf32>
    %slice3A_643 = vector.extract_strided_slice %add3A_641 {offsets = [0, 2], sizes = [512, 2], strides = [1, 1]} : vector<512x4xf32> to vector<512x2xf32>
    %add3A_644 = arith.addf %slice3A_642, %slice3A_643 : vector<512x2xf32>
    %slice3A_645 = vector.extract_strided_slice %add3A_644 {offsets = [0, 0], sizes = [512, 1], strides = [1, 1]} : vector<512x2xf32> to vector<512x1xf32>
    %slice3A_646 = vector.extract_strided_slice %add3A_644 {offsets = [0, 1], sizes = [512, 1], strides = [1, 1]} : vector<512x2xf32> to vector<512x1xf32>
    %add3A_647 = arith.addf %slice3A_645, %slice3A_646 : vector<512x1xf32>
    %add3A_648 = arith.addf %add3A_606, %add3A_647 : vector<512x1xf32>
    %reduce_min3A_649 = arith.constant dense<0x7F800000> : vector<512xf32>
    %reduce_min3A_650 = vector.multi_reduction <minimumf>, %select_n3A_557, %reduce_min3A_649 [1] : vector<512x512xf32> to vector<512xf32>
    %broadcast_in_dim3A_651 = vector.shape_cast %reduce_min3A_650 : vector<512xf32> to vector<512x1xf32>
    %eq3A_652 = vector.broadcast %broadcast_in_dim3A_651 : vector<512x1xf32> to vector<512x512xf32>
    %eq3A_653 = arith.cmpf oeq, %select_n3A_557, %eq3A_652 : vector<512x512xf32>
    %jit3A_654 = arith.constant 512 : i32
    %broadcast_in_dim3A_655 = vector.broadcast %jit3A_654 : i32 to vector<512x512xi32>
    %select_n3A_656 = arith.select %eq3A_653, %iota3A, %broadcast_in_dim3A_655 : vector<512x512xi1>, vector<512x512xi32>
    %reduce_min3A_657 = arith.constant dense<2147483647> : vector<512xi32>
    %reduce_min3A_658 = vector.multi_reduction <minsi>, %select_n3A_656, %reduce_min3A_657 [1] : vector<512x512xi32> to vector<512xi32>
    %broadcast_in_dim3A_659 = vector.shape_cast %reduce_min3A_658 : vector<512xi32> to vector<512x1xi32>
    %eq3A_660 = vector.broadcast %broadcast_in_dim3A_659 : vector<512x1xi32> to vector<512x512xi32>
    %eq3A_661 = arith.cmpi eq, %iota3A, %eq3A_660 : vector<512x512xi32>
    %jit3A_662 = arith.constant 0x7F800000 : f32
    %broadcast_in_dim3A_663 = vector.broadcast %jit3A_662 : f32 to vector<512x512xf32>
    %select_n3A_664 = arith.select %eq3A_661, %broadcast_in_dim3A_663, %select_n3A_557 : vector<512x512xi1>, vector<512x512xf32>
    %eq3A_665 = vector.broadcast %broadcast_in_dim3A_659 : vector<512x1xi32> to vector<512x512xi32>
    %eq3A_666 = arith.cmpi eq, %iota3A, %eq3A_665 : vector<512x512xi32>
    %convert_element_type3A_667 = arith.extui %eq3A_666 : vector<512x512xi1> to vector<512x512xi32>
    %convert_element_type3A_668 = arith.sitofp %convert_element_type3A_667 : vector<512x512xi32> to vector<512x512xf32>
    %dot_general3A_669 = arith.constant dense<0.000000e+00> : vector<512x256xf32>
    %dot_general3A_670 = tpu.matmul %convert_element_type3A_668, %get3A_7, %dot_general3A_669 {dimension_numbers = #tpu.dot_dimension_numbers<[1], [0], [0], [1], [0, 0, 1, 1], [], []>, precision = #tpu.contract_precision<fp32>, transpose_lhs_hint = false} : vector<512x512xf32>, vector<512x256xf32>, vector<512x256xf32> -> vector<512x256xf32>
    %sub3A_671 = arith.subf %get3A_1, %dot_general3A_670 : vector<512x256xf32>
    %mul3A_672 = arith.mulf %sub3A_671, %sub3A_671 : vector<512x256xf32>
    %slice3A_673 = vector.extract_strided_slice %mul3A_672 {offsets = [0, 0], sizes = [512, 128], strides = [1, 1]} : vector<512x256xf32> to vector<512x128xf32>
    %slice3A_674 = vector.extract_strided_slice %slice3A_673 {offsets = [0, 0], sizes = [512, 8], strides = [1, 1]} : vector<512x128xf32> to vector<512x8xf32>
    %slice3A_675 = vector.extract_strided_slice %slice3A_673 {offsets = [0, 8], sizes = [512, 8], strides = [1, 1]} : vector<512x128xf32> to vector<512x8xf32>
    %add3A_676 = arith.addf %slice3A_674, %slice3A_675 : vector<512x8xf32>
    %slice3A_677 = vector.extract_strided_slice %slice3A_673 {offsets = [0, 16], sizes = [512, 8], strides = [1, 1]} : vector<512x128xf32> to vector<512x8xf32>
    %add3A_678 = arith.addf %add3A_676, %slice3A_677 : vector<512x8xf32>
    %slice3A_679 = vector.extract_strided_slice %slice3A_673 {offsets = [0, 24], sizes = [512, 8], strides = [1, 1]} : vector<512x128xf32> to vector<512x8xf32>
    %add3A_680 = arith.addf %add3A_678, %slice3A_679 : vector<512x8xf32>
    %slice3A_681 = vector.extract_strided_slice %slice3A_673 {offsets = [0, 32], sizes = [512, 8], strides = [1, 1]} : vector<512x128xf32> to vector<512x8xf32>
    %add3A_682 = arith.addf %add3A_680, %slice3A_681 : vector<512x8xf32>
    %slice3A_683 = vector.extract_strided_slice %slice3A_673 {offsets = [0, 40], sizes = [512, 8], strides = [1, 1]} : vector<512x128xf32> to vector<512x8xf32>
    %add3A_684 = arith.addf %add3A_682, %slice3A_683 : vector<512x8xf32>
    %slice3A_685 = vector.extract_strided_slice %slice3A_673 {offsets = [0, 48], sizes = [512, 8], strides = [1, 1]} : vector<512x128xf32> to vector<512x8xf32>
    %add3A_686 = arith.addf %add3A_684, %slice3A_685 : vector<512x8xf32>
    %slice3A_687 = vector.extract_strided_slice %slice3A_673 {offsets = [0, 56], sizes = [512, 8], strides = [1, 1]} : vector<512x128xf32> to vector<512x8xf32>
    %add3A_688 = arith.addf %add3A_686, %slice3A_687 : vector<512x8xf32>
    %slice3A_689 = vector.extract_strided_slice %slice3A_673 {offsets = [0, 64], sizes = [512, 8], strides = [1, 1]} : vector<512x128xf32> to vector<512x8xf32>
    %add3A_690 = arith.addf %add3A_688, %slice3A_689 : vector<512x8xf32>
    %slice3A_691 = vector.extract_strided_slice %slice3A_673 {offsets = [0, 72], sizes = [512, 8], strides = [1, 1]} : vector<512x128xf32> to vector<512x8xf32>
    %add3A_692 = arith.addf %add3A_690, %slice3A_691 : vector<512x8xf32>
    %slice3A_693 = vector.extract_strided_slice %slice3A_673 {offsets = [0, 80], sizes = [512, 8], strides = [1, 1]} : vector<512x128xf32> to vector<512x8xf32>
    %add3A_694 = arith.addf %add3A_692, %slice3A_693 : vector<512x8xf32>
    %slice3A_695 = vector.extract_strided_slice %slice3A_673 {offsets = [0, 88], sizes = [512, 8], strides = [1, 1]} : vector<512x128xf32> to vector<512x8xf32>
    %add3A_696 = arith.addf %add3A_694, %slice3A_695 : vector<512x8xf32>
    %slice3A_697 = vector.extract_strided_slice %slice3A_673 {offsets = [0, 96], sizes = [512, 8], strides = [1, 1]} : vector<512x128xf32> to vector<512x8xf32>
    %add3A_698 = arith.addf %add3A_696, %slice3A_697 : vector<512x8xf32>
    %slice3A_699 = vector.extract_strided_slice %slice3A_673 {offsets = [0, 104], sizes = [512, 8], strides = [1, 1]} : vector<512x128xf32> to vector<512x8xf32>
    %add3A_700 = arith.addf %add3A_698, %slice3A_699 : vector<512x8xf32>
    %slice3A_701 = vector.extract_strided_slice %slice3A_673 {offsets = [0, 112], sizes = [512, 8], strides = [1, 1]} : vector<512x128xf32> to vector<512x8xf32>
    %add3A_702 = arith.addf %add3A_700, %slice3A_701 : vector<512x8xf32>
    %slice3A_703 = vector.extract_strided_slice %slice3A_673 {offsets = [0, 120], sizes = [512, 8], strides = [1, 1]} : vector<512x128xf32> to vector<512x8xf32>
    %add3A_704 = arith.addf %add3A_702, %slice3A_703 : vector<512x8xf32>
    %slice3A_705 = vector.extract_strided_slice %add3A_704 {offsets = [0, 0], sizes = [512, 4], strides = [1, 1]} : vector<512x8xf32> to vector<512x4xf32>
    %slice3A_706 = vector.extract_strided_slice %add3A_704 {offsets = [0, 4], sizes = [512, 4], strides = [1, 1]} : vector<512x8xf32> to vector<512x4xf32>
    %add3A_707 = arith.addf %slice3A_705, %slice3A_706 : vector<512x4xf32>
    %slice3A_708 = vector.extract_strided_slice %add3A_707 {offsets = [0, 0], sizes = [512, 2], strides = [1, 1]} : vector<512x4xf32> to vector<512x2xf32>
    %slice3A_709 = vector.extract_strided_slice %add3A_707 {offsets = [0, 2], sizes = [512, 2], strides = [1, 1]} : vector<512x4xf32> to vector<512x2xf32>
    %add3A_710 = arith.addf %slice3A_708, %slice3A_709 : vector<512x2xf32>
    %slice3A_711 = vector.extract_strided_slice %add3A_710 {offsets = [0, 0], sizes = [512, 1], strides = [1, 1]} : vector<512x2xf32> to vector<512x1xf32>
    %slice3A_712 = vector.extract_strided_slice %add3A_710 {offsets = [0, 1], sizes = [512, 1], strides = [1, 1]} : vector<512x2xf32> to vector<512x1xf32>
    %add3A_713 = arith.addf %slice3A_711, %slice3A_712 : vector<512x1xf32>
    %slice3A_714 = vector.extract_strided_slice %mul3A_672 {offsets = [0, 128], sizes = [512, 128], strides = [1, 1]} : vector<512x256xf32> to vector<512x128xf32>
    %slice3A_715 = vector.extract_strided_slice %slice3A_714 {offsets = [0, 0], sizes = [512, 8], strides = [1, 1]} : vector<512x128xf32> to vector<512x8xf32>
    %slice3A_716 = vector.extract_strided_slice %slice3A_714 {offsets = [0, 8], sizes = [512, 8], strides = [1, 1]} : vector<512x128xf32> to vector<512x8xf32>
    %add3A_717 = arith.addf %slice3A_715, %slice3A_716 : vector<512x8xf32>
    %slice3A_718 = vector.extract_strided_slice %slice3A_714 {offsets = [0, 16], sizes = [512, 8], strides = [1, 1]} : vector<512x128xf32> to vector<512x8xf32>
    %add3A_719 = arith.addf %add3A_717, %slice3A_718 : vector<512x8xf32>
    %slice3A_720 = vector.extract_strided_slice %slice3A_714 {offsets = [0, 24], sizes = [512, 8], strides = [1, 1]} : vector<512x128xf32> to vector<512x8xf32>
    %add3A_721 = arith.addf %add3A_719, %slice3A_720 : vector<512x8xf32>
    %slice3A_722 = vector.extract_strided_slice %slice3A_714 {offsets = [0, 32], sizes = [512, 8], strides = [1, 1]} : vector<512x128xf32> to vector<512x8xf32>
    %add3A_723 = arith.addf %add3A_721, %slice3A_722 : vector<512x8xf32>
    %slice3A_724 = vector.extract_strided_slice %slice3A_714 {offsets = [0, 40], sizes = [512, 8], strides = [1, 1]} : vector<512x128xf32> to vector<512x8xf32>
    %add3A_725 = arith.addf %add3A_723, %slice3A_724 : vector<512x8xf32>
    %slice3A_726 = vector.extract_strided_slice %slice3A_714 {offsets = [0, 48], sizes = [512, 8], strides = [1, 1]} : vector<512x128xf32> to vector<512x8xf32>
    %add3A_727 = arith.addf %add3A_725, %slice3A_726 : vector<512x8xf32>
    %slice3A_728 = vector.extract_strided_slice %slice3A_714 {offsets = [0, 56], sizes = [512, 8], strides = [1, 1]} : vector<512x128xf32> to vector<512x8xf32>
    %add3A_729 = arith.addf %add3A_727, %slice3A_728 : vector<512x8xf32>
    %slice3A_730 = vector.extract_strided_slice %slice3A_714 {offsets = [0, 64], sizes = [512, 8], strides = [1, 1]} : vector<512x128xf32> to vector<512x8xf32>
    %add3A_731 = arith.addf %add3A_729, %slice3A_730 : vector<512x8xf32>
    %slice3A_732 = vector.extract_strided_slice %slice3A_714 {offsets = [0, 72], sizes = [512, 8], strides = [1, 1]} : vector<512x128xf32> to vector<512x8xf32>
    %add3A_733 = arith.addf %add3A_731, %slice3A_732 : vector<512x8xf32>
    %slice3A_734 = vector.extract_strided_slice %slice3A_714 {offsets = [0, 80], sizes = [512, 8], strides = [1, 1]} : vector<512x128xf32> to vector<512x8xf32>
    %add3A_735 = arith.addf %add3A_733, %slice3A_734 : vector<512x8xf32>
    %slice3A_736 = vector.extract_strided_slice %slice3A_714 {offsets = [0, 88], sizes = [512, 8], strides = [1, 1]} : vector<512x128xf32> to vector<512x8xf32>
    %add3A_737 = arith.addf %add3A_735, %slice3A_736 : vector<512x8xf32>
    %slice3A_738 = vector.extract_strided_slice %slice3A_714 {offsets = [0, 96], sizes = [512, 8], strides = [1, 1]} : vector<512x128xf32> to vector<512x8xf32>
    %add3A_739 = arith.addf %add3A_737, %slice3A_738 : vector<512x8xf32>
    %slice3A_740 = vector.extract_strided_slice %slice3A_714 {offsets = [0, 104], sizes = [512, 8], strides = [1, 1]} : vector<512x128xf32> to vector<512x8xf32>
    %add3A_741 = arith.addf %add3A_739, %slice3A_740 : vector<512x8xf32>
    %slice3A_742 = vector.extract_strided_slice %slice3A_714 {offsets = [0, 112], sizes = [512, 8], strides = [1, 1]} : vector<512x128xf32> to vector<512x8xf32>
    %add3A_743 = arith.addf %add3A_741, %slice3A_742 : vector<512x8xf32>
    %slice3A_744 = vector.extract_strided_slice %slice3A_714 {offsets = [0, 120], sizes = [512, 8], strides = [1, 1]} : vector<512x128xf32> to vector<512x8xf32>
    %add3A_745 = arith.addf %add3A_743, %slice3A_744 : vector<512x8xf32>
    %slice3A_746 = vector.extract_strided_slice %add3A_745 {offsets = [0, 0], sizes = [512, 4], strides = [1, 1]} : vector<512x8xf32> to vector<512x4xf32>
    %slice3A_747 = vector.extract_strided_slice %add3A_745 {offsets = [0, 4], sizes = [512, 4], strides = [1, 1]} : vector<512x8xf32> to vector<512x4xf32>
    %add3A_748 = arith.addf %slice3A_746, %slice3A_747 : vector<512x4xf32>
    %slice3A_749 = vector.extract_strided_slice %add3A_748 {offsets = [0, 0], sizes = [512, 2], strides = [1, 1]} : vector<512x4xf32> to vector<512x2xf32>
    %slice3A_750 = vector.extract_strided_slice %add3A_748 {offsets = [0, 2], sizes = [512, 2], strides = [1, 1]} : vector<512x4xf32> to vector<512x2xf32>
    %add3A_751 = arith.addf %slice3A_749, %slice3A_750 : vector<512x2xf32>
    %slice3A_752 = vector.extract_strided_slice %add3A_751 {offsets = [0, 0], sizes = [512, 1], strides = [1, 1]} : vector<512x2xf32> to vector<512x1xf32>
    %slice3A_753 = vector.extract_strided_slice %add3A_751 {offsets = [0, 1], sizes = [512, 1], strides = [1, 1]} : vector<512x2xf32> to vector<512x1xf32>
    %add3A_754 = arith.addf %slice3A_752, %slice3A_753 : vector<512x1xf32>
    %add3A_755 = arith.addf %add3A_713, %add3A_754 : vector<512x1xf32>
    %reduce_min3A_756 = arith.constant dense<0x7F800000> : vector<512xf32>
    %reduce_min3A_757 = vector.multi_reduction <minimumf>, %select_n3A_664, %reduce_min3A_756 [1] : vector<512x512xf32> to vector<512xf32>
    %broadcast_in_dim3A_758 = vector.shape_cast %reduce_min3A_757 : vector<512xf32> to vector<512x1xf32>
    %eq3A_759 = vector.broadcast %broadcast_in_dim3A_758 : vector<512x1xf32> to vector<512x512xf32>
    %eq3A_760 = arith.cmpf oeq, %select_n3A_664, %eq3A_759 : vector<512x512xf32>
    %jit3A_761 = arith.constant 512 : i32
    %broadcast_in_dim3A_762 = vector.broadcast %jit3A_761 : i32 to vector<512x512xi32>
    %select_n3A_763 = arith.select %eq3A_760, %iota3A, %broadcast_in_dim3A_762 : vector<512x512xi1>, vector<512x512xi32>
    %reduce_min3A_764 = arith.constant dense<2147483647> : vector<512xi32>
    %reduce_min3A_765 = vector.multi_reduction <minsi>, %select_n3A_763, %reduce_min3A_764 [1] : vector<512x512xi32> to vector<512xi32>
    %broadcast_in_dim3A_766 = vector.shape_cast %reduce_min3A_765 : vector<512xi32> to vector<512x1xi32>
    %eq3A_767 = vector.broadcast %broadcast_in_dim3A_766 : vector<512x1xi32> to vector<512x512xi32>
    %eq3A_768 = arith.cmpi eq, %iota3A, %eq3A_767 : vector<512x512xi32>
    %convert_element_type3A_769 = arith.extui %eq3A_768 : vector<512x512xi1> to vector<512x512xi32>
    %convert_element_type3A_770 = arith.sitofp %convert_element_type3A_769 : vector<512x512xi32> to vector<512x512xf32>
    %dot_general3A_771 = arith.constant dense<0.000000e+00> : vector<512x256xf32>
    %dot_general3A_772 = tpu.matmul %convert_element_type3A_770, %get3A_7, %dot_general3A_771 {dimension_numbers = #tpu.dot_dimension_numbers<[1], [0], [0], [1], [0, 0, 1, 1], [], []>, precision = #tpu.contract_precision<fp32>, transpose_lhs_hint = false} : vector<512x512xf32>, vector<512x256xf32>, vector<512x256xf32> -> vector<512x256xf32>
    %sub3A_773 = arith.subf %get3A_1, %dot_general3A_772 : vector<512x256xf32>
    %mul3A_774 = arith.mulf %sub3A_773, %sub3A_773 : vector<512x256xf32>
    %slice3A_775 = vector.extract_strided_slice %mul3A_774 {offsets = [0, 0], sizes = [512, 128], strides = [1, 1]} : vector<512x256xf32> to vector<512x128xf32>
    %slice3A_776 = vector.extract_strided_slice %slice3A_775 {offsets = [0, 0], sizes = [512, 8], strides = [1, 1]} : vector<512x128xf32> to vector<512x8xf32>
    %slice3A_777 = vector.extract_strided_slice %slice3A_775 {offsets = [0, 8], sizes = [512, 8], strides = [1, 1]} : vector<512x128xf32> to vector<512x8xf32>
    %add3A_778 = arith.addf %slice3A_776, %slice3A_777 : vector<512x8xf32>
    %slice3A_779 = vector.extract_strided_slice %slice3A_775 {offsets = [0, 16], sizes = [512, 8], strides = [1, 1]} : vector<512x128xf32> to vector<512x8xf32>
    %add3A_780 = arith.addf %add3A_778, %slice3A_779 : vector<512x8xf32>
    %slice3A_781 = vector.extract_strided_slice %slice3A_775 {offsets = [0, 24], sizes = [512, 8], strides = [1, 1]} : vector<512x128xf32> to vector<512x8xf32>
    %add3A_782 = arith.addf %add3A_780, %slice3A_781 : vector<512x8xf32>
    %slice3A_783 = vector.extract_strided_slice %slice3A_775 {offsets = [0, 32], sizes = [512, 8], strides = [1, 1]} : vector<512x128xf32> to vector<512x8xf32>
    %add3A_784 = arith.addf %add3A_782, %slice3A_783 : vector<512x8xf32>
    %slice3A_785 = vector.extract_strided_slice %slice3A_775 {offsets = [0, 40], sizes = [512, 8], strides = [1, 1]} : vector<512x128xf32> to vector<512x8xf32>
    %add3A_786 = arith.addf %add3A_784, %slice3A_785 : vector<512x8xf32>
    %slice3A_787 = vector.extract_strided_slice %slice3A_775 {offsets = [0, 48], sizes = [512, 8], strides = [1, 1]} : vector<512x128xf32> to vector<512x8xf32>
    %add3A_788 = arith.addf %add3A_786, %slice3A_787 : vector<512x8xf32>
    %slice3A_789 = vector.extract_strided_slice %slice3A_775 {offsets = [0, 56], sizes = [512, 8], strides = [1, 1]} : vector<512x128xf32> to vector<512x8xf32>
    %add3A_790 = arith.addf %add3A_788, %slice3A_789 : vector<512x8xf32>
    %slice3A_791 = vector.extract_strided_slice %slice3A_775 {offsets = [0, 64], sizes = [512, 8], strides = [1, 1]} : vector<512x128xf32> to vector<512x8xf32>
    %add3A_792 = arith.addf %add3A_790, %slice3A_791 : vector<512x8xf32>
    %slice3A_793 = vector.extract_strided_slice %slice3A_775 {offsets = [0, 72], sizes = [512, 8], strides = [1, 1]} : vector<512x128xf32> to vector<512x8xf32>
    %add3A_794 = arith.addf %add3A_792, %slice3A_793 : vector<512x8xf32>
    %slice3A_795 = vector.extract_strided_slice %slice3A_775 {offsets = [0, 80], sizes = [512, 8], strides = [1, 1]} : vector<512x128xf32> to vector<512x8xf32>
    %add3A_796 = arith.addf %add3A_794, %slice3A_795 : vector<512x8xf32>
    %slice3A_797 = vector.extract_strided_slice %slice3A_775 {offsets = [0, 88], sizes = [512, 8], strides = [1, 1]} : vector<512x128xf32> to vector<512x8xf32>
    %add3A_798 = arith.addf %add3A_796, %slice3A_797 : vector<512x8xf32>
    %slice3A_799 = vector.extract_strided_slice %slice3A_775 {offsets = [0, 96], sizes = [512, 8], strides = [1, 1]} : vector<512x128xf32> to vector<512x8xf32>
    %add3A_800 = arith.addf %add3A_798, %slice3A_799 : vector<512x8xf32>
    %slice3A_801 = vector.extract_strided_slice %slice3A_775 {offsets = [0, 104], sizes = [512, 8], strides = [1, 1]} : vector<512x128xf32> to vector<512x8xf32>
    %add3A_802 = arith.addf %add3A_800, %slice3A_801 : vector<512x8xf32>
    %slice3A_803 = vector.extract_strided_slice %slice3A_775 {offsets = [0, 112], sizes = [512, 8], strides = [1, 1]} : vector<512x128xf32> to vector<512x8xf32>
    %add3A_804 = arith.addf %add3A_802, %slice3A_803 : vector<512x8xf32>
    %slice3A_805 = vector.extract_strided_slice %slice3A_775 {offsets = [0, 120], sizes = [512, 8], strides = [1, 1]} : vector<512x128xf32> to vector<512x8xf32>
    %add3A_806 = arith.addf %add3A_804, %slice3A_805 : vector<512x8xf32>
    %slice3A_807 = vector.extract_strided_slice %add3A_806 {offsets = [0, 0], sizes = [512, 4], strides = [1, 1]} : vector<512x8xf32> to vector<512x4xf32>
    %slice3A_808 = vector.extract_strided_slice %add3A_806 {offsets = [0, 4], sizes = [512, 4], strides = [1, 1]} : vector<512x8xf32> to vector<512x4xf32>
    %add3A_809 = arith.addf %slice3A_807, %slice3A_808 : vector<512x4xf32>
    %slice3A_810 = vector.extract_strided_slice %add3A_809 {offsets = [0, 0], sizes = [512, 2], strides = [1, 1]} : vector<512x4xf32> to vector<512x2xf32>
    %slice3A_811 = vector.extract_strided_slice %add3A_809 {offsets = [0, 2], sizes = [512, 2], strides = [1, 1]} : vector<512x4xf32> to vector<512x2xf32>
    %add3A_812 = arith.addf %slice3A_810, %slice3A_811 : vector<512x2xf32>
    %slice3A_813 = vector.extract_strided_slice %add3A_812 {offsets = [0, 0], sizes = [512, 1], strides = [1, 1]} : vector<512x2xf32> to vector<512x1xf32>
    %slice3A_814 = vector.extract_strided_slice %add3A_812 {offsets = [0, 1], sizes = [512, 1], strides = [1, 1]} : vector<512x2xf32> to vector<512x1xf32>
    %add3A_815 = arith.addf %slice3A_813, %slice3A_814 : vector<512x1xf32>
    %slice3A_816 = vector.extract_strided_slice %mul3A_774 {offsets = [0, 128], sizes = [512, 128], strides = [1, 1]} : vector<512x256xf32> to vector<512x128xf32>
    %slice3A_817 = vector.extract_strided_slice %slice3A_816 {offsets = [0, 0], sizes = [512, 8], strides = [1, 1]} : vector<512x128xf32> to vector<512x8xf32>
    %slice3A_818 = vector.extract_strided_slice %slice3A_816 {offsets = [0, 8], sizes = [512, 8], strides = [1, 1]} : vector<512x128xf32> to vector<512x8xf32>
    %add3A_819 = arith.addf %slice3A_817, %slice3A_818 : vector<512x8xf32>
    %slice3A_820 = vector.extract_strided_slice %slice3A_816 {offsets = [0, 16], sizes = [512, 8], strides = [1, 1]} : vector<512x128xf32> to vector<512x8xf32>
    %add3A_821 = arith.addf %add3A_819, %slice3A_820 : vector<512x8xf32>
    %slice3A_822 = vector.extract_strided_slice %slice3A_816 {offsets = [0, 24], sizes = [512, 8], strides = [1, 1]} : vector<512x128xf32> to vector<512x8xf32>
    %add3A_823 = arith.addf %add3A_821, %slice3A_822 : vector<512x8xf32>
    %slice3A_824 = vector.extract_strided_slice %slice3A_816 {offsets = [0, 32], sizes = [512, 8], strides = [1, 1]} : vector<512x128xf32> to vector<512x8xf32>
    %add3A_825 = arith.addf %add3A_823, %slice3A_824 : vector<512x8xf32>
    %slice3A_826 = vector.extract_strided_slice %slice3A_816 {offsets = [0, 40], sizes = [512, 8], strides = [1, 1]} : vector<512x128xf32> to vector<512x8xf32>
    %add3A_827 = arith.addf %add3A_825, %slice3A_826 : vector<512x8xf32>
    %slice3A_828 = vector.extract_strided_slice %slice3A_816 {offsets = [0, 48], sizes = [512, 8], strides = [1, 1]} : vector<512x128xf32> to vector<512x8xf32>
    %add3A_829 = arith.addf %add3A_827, %slice3A_828 : vector<512x8xf32>
    %slice3A_830 = vector.extract_strided_slice %slice3A_816 {offsets = [0, 56], sizes = [512, 8], strides = [1, 1]} : vector<512x128xf32> to vector<512x8xf32>
    %add3A_831 = arith.addf %add3A_829, %slice3A_830 : vector<512x8xf32>
    %slice3A_832 = vector.extract_strided_slice %slice3A_816 {offsets = [0, 64], sizes = [512, 8], strides = [1, 1]} : vector<512x128xf32> to vector<512x8xf32>
    %add3A_833 = arith.addf %add3A_831, %slice3A_832 : vector<512x8xf32>
    %slice3A_834 = vector.extract_strided_slice %slice3A_816 {offsets = [0, 72], sizes = [512, 8], strides = [1, 1]} : vector<512x128xf32> to vector<512x8xf32>
    %add3A_835 = arith.addf %add3A_833, %slice3A_834 : vector<512x8xf32>
    %slice3A_836 = vector.extract_strided_slice %slice3A_816 {offsets = [0, 80], sizes = [512, 8], strides = [1, 1]} : vector<512x128xf32> to vector<512x8xf32>
    %add3A_837 = arith.addf %add3A_835, %slice3A_836 : vector<512x8xf32>
    %slice3A_838 = vector.extract_strided_slice %slice3A_816 {offsets = [0, 88], sizes = [512, 8], strides = [1, 1]} : vector<512x128xf32> to vector<512x8xf32>
    %add3A_839 = arith.addf %add3A_837, %slice3A_838 : vector<512x8xf32>
    %slice3A_840 = vector.extract_strided_slice %slice3A_816 {offsets = [0, 96], sizes = [512, 8], strides = [1, 1]} : vector<512x128xf32> to vector<512x8xf32>
    %add3A_841 = arith.addf %add3A_839, %slice3A_840 : vector<512x8xf32>
    %slice3A_842 = vector.extract_strided_slice %slice3A_816 {offsets = [0, 104], sizes = [512, 8], strides = [1, 1]} : vector<512x128xf32> to vector<512x8xf32>
    %add3A_843 = arith.addf %add3A_841, %slice3A_842 : vector<512x8xf32>
    %slice3A_844 = vector.extract_strided_slice %slice3A_816 {offsets = [0, 112], sizes = [512, 8], strides = [1, 1]} : vector<512x128xf32> to vector<512x8xf32>
    %add3A_845 = arith.addf %add3A_843, %slice3A_844 : vector<512x8xf32>
    %slice3A_846 = vector.extract_strided_slice %slice3A_816 {offsets = [0, 120], sizes = [512, 8], strides = [1, 1]} : vector<512x128xf32> to vector<512x8xf32>
    %add3A_847 = arith.addf %add3A_845, %slice3A_846 : vector<512x8xf32>
    %slice3A_848 = vector.extract_strided_slice %add3A_847 {offsets = [0, 0], sizes = [512, 4], strides = [1, 1]} : vector<512x8xf32> to vector<512x4xf32>
    %slice3A_849 = vector.extract_strided_slice %add3A_847 {offsets = [0, 4], sizes = [512, 4], strides = [1, 1]} : vector<512x8xf32> to vector<512x4xf32>
    %add3A_850 = arith.addf %slice3A_848, %slice3A_849 : vector<512x4xf32>
    %slice3A_851 = vector.extract_strided_slice %add3A_850 {offsets = [0, 0], sizes = [512, 2], strides = [1, 1]} : vector<512x4xf32> to vector<512x2xf32>
    %slice3A_852 = vector.extract_strided_slice %add3A_850 {offsets = [0, 2], sizes = [512, 2], strides = [1, 1]} : vector<512x4xf32> to vector<512x2xf32>
    %add3A_853 = arith.addf %slice3A_851, %slice3A_852 : vector<512x2xf32>
    %slice3A_854 = vector.extract_strided_slice %add3A_853 {offsets = [0, 0], sizes = [512, 1], strides = [1, 1]} : vector<512x2xf32> to vector<512x1xf32>
    %slice3A_855 = vector.extract_strided_slice %add3A_853 {offsets = [0, 1], sizes = [512, 1], strides = [1, 1]} : vector<512x2xf32> to vector<512x1xf32>
    %add3A_856 = arith.addf %slice3A_854, %slice3A_855 : vector<512x1xf32>
    %add3A_857 = arith.addf %add3A_815, %add3A_856 : vector<512x1xf32>
    %concatenate3A = tpu.concatenate %add3A_113, %add3A_220, %add3A_327, %add3A_434, %add3A_541, %add3A_648, %add3A_755, %add3A_857 in 1 : vector<512x1xf32>, vector<512x1xf32>, vector<512x1xf32>, vector<512x1xf32>, vector<512x1xf32>, vector<512x1xf32>, vector<512x1xf32>, vector<512x1xf32> -> vector<512x8xf32>
    %concatenate3A_858 = tpu.concatenate %broadcast_in_dim3A_20, %broadcast_in_dim3A_124, %broadcast_in_dim3A_231, %broadcast_in_dim3A_338, %broadcast_in_dim3A_445, %broadcast_in_dim3A_552, %broadcast_in_dim3A_659, %broadcast_in_dim3A_766 in 1 : vector<512x1xi32>, vector<512x1xi32>, vector<512x1xi32>, vector<512x1xi32>, vector<512x1xi32>, vector<512x1xi32>, vector<512x1xi32>, vector<512x1xi32> -> vector<512x8xi32>
    %reduce_min3A_859 = arith.constant dense<0x7F800000> : vector<512xf32>
    %reduce_min3A_860 = vector.multi_reduction <minimumf>, %concatenate3A, %reduce_min3A_859 [1] : vector<512x8xf32> to vector<512xf32>
    %broadcast_in_dim3A_861 = vector.shape_cast %reduce_min3A_860 : vector<512xf32> to vector<512x1xf32>
    %eq3A_862 = vector.broadcast %broadcast_in_dim3A_861 : vector<512x1xf32> to vector<512x8xf32>
    %eq3A_863 = arith.cmpf oeq, %concatenate3A, %eq3A_862 : vector<512x8xf32>
    %jit3A_864 = arith.constant 512 : i32
    %broadcast_in_dim3A_865 = vector.broadcast %jit3A_864 : i32 to vector<512x8xi32>
    %select_n3A_866 = arith.select %eq3A_863, %concatenate3A_858, %broadcast_in_dim3A_865 : vector<512x8xi1>, vector<512x8xi32>
    %reduce_min3A_867 = arith.constant dense<2147483647> : vector<512xi32>
    %reduce_min3A_868 = vector.multi_reduction <minsi>, %select_n3A_866, %reduce_min3A_867 [1] : vector<512x8xi32> to vector<512xi32>
    %swap3A = arith.constant 0 : index
    %swap3A_869 = vector.load %arg4[%swap3A] : memref<512xi32, #tpu.memory_space<vmem>>, vector<512xi32>
    tpu.vector_store %arg4[%swap3A], %reduce_min3A_868 {strides = array<i32>} : memref<512xi32, #tpu.memory_space<vmem>>, vector<512xi32>,
    return
  }
  func.func @transform_0(%arg0: i32) -> (i32, i32) {
    %c0_i32 = arith.constant 0 : i32
    %c0_i32_0 = arith.constant 0 : i32
    return %arg0, %c0_i32 : i32, i32
  }
  func.func @transform_1(%arg0: i32) -> (i32, i32) {
    %c0_i32 = arith.constant 0 : i32
    %c0_i32_0 = arith.constant 0 : i32
    %c0_i32_1 = arith.constant 0 : i32
    return %c0_i32, %c0_i32_0 : i32, i32
  }
  func.func @transform_2(%arg0: i32) -> (i32, i32) {
    %c0_i32 = arith.constant 0 : i32
    %c0_i32_0 = arith.constant 0 : i32
    %c0_i32_1 = arith.constant 0 : i32
    return %c0_i32, %c0_i32_0 : i32, i32
  }
  func.func @transform_3(%arg0: i32) -> i32 {
    %c0_i32 = arith.constant 0 : i32
    return %arg0 : i32
  }
}

</mosaic_0001>

<sc_bundles>
// kernel: kernel.4.cloned.1.call-start
scs
__scs_entry_jumppad:
0x0: {  	(pc) =	sbr.rel $0x88, $3  }
0x1: {  	(tag) =	ssettag $0x0;
	lr =	simm.s32 $0x1  }
0x2: {  	[smem:$0x3F83] =	sst lr;
	_ =	strace $0xD0000000  }
0x3: {  	_ = 	snop  }
0x4: {  	_ = 	snop  }
0x5: {  	_ = 	snop  }
0x6: {  	_ = 	snop  }
0x7: {  	_ = 	snop  }
__scs_overlays_trampoline_lowered:
0x8: {  	[smem:$0x3F92] =	sst s0  }
0x9: {  	[smem:$0x3F93] =	sst s1  }
0xa: {  	[smem:$0x3F94] =	sst s2  }
0xb: {  	[smem:$0x3F95] =	sst s3  }
0xc: {  	[smem:$0x3F96] =	sst s4  }
0xd: {  	[smem:$0x3F97] =	sst s5  }
0xe: {  	[smem:$0x3F98] =	sst s6  }
0xf: {  	[smem:$0x3F99] =	sst s7  }
0x10: {  	[smem:$0x3F9A] =	sst s8  }
0x11: {  	[smem:$0x3F9B] =	sst s9;
	s0 =	simm.s32 @!p0 $0x0  }
0x12: {  	s1 =	sld [smem:$0x3F81];
	s0 =	simm.s32 @p0 $0x1  }
0x13: {  	[smem:$0x3F9C] =	sst s0;
	s0 =	simm.s32 @!p1 $0x0  }
0x14: {  	s2 =	sld [smem:$0x3F80];
	s0 =	simm.s32 @p1 $0x1  }
0x15: {  	[smem:$0x3F9D] =	sst s0;
	s0 =	simm.s32 @!p2 $0x0  }
0x16: {  	s3 =	sld [smem:$0x3FDB];
	s0 =	simm.s32 @p2 $0x1  }
0x17: {  	s4 =	simm.s32 $0x1BF5;
	[smem:$0x3F9F] =	sst s0  }
0x18: {  	s0 =	sld [smem:$0x3F82];
	_ =	swait.ge [sflag:s4], $0x0  }
0x19: {  	s7 =	sld [smem:$0x3F83]  }
0x1a: {  	s8 =	sadd.s32 $0xFFFFE003, lr  }
0x1b: {  	s9 =	sadd.s32 $0xFFFFFEF7, lr;
	s5 =	simm.s32 $0xFFFFFFFF;
	p2 =	slt.u32 s8, $0xFFFFF086  }
0x1c: {  	p1 =	slt.u32 s9, $0xF7A;
	s5 =	simm.s32 @!p2 $0x0  }
0x1d: {  	s5 =	simm.s32 @p1 $0x1;
	p0 =	seq.s32 s7, s2  }
0x1e: {  	s7 =	smul.u32 @!p0 $0xF7A, s2;
	p2 =	seq.s32 @!p0 s5, $0x0  }
0x1f: {  	s9 =	smul.u32 $0xF7A, s1;
	s8 =	simm.s32 @!p0 $0x1BF5;
	p2 =	por !p2, p0  }
0x20: {  	[sflag:s8] =	ssyncset.s32 @!p0 $0xFFFFF086;
	s6 =	sadd.s32 @!p0 s3, s7;
	s7 =	simm.s32 @!p0 $0x108  }
0x21: {  	s3 =	sadd.s32 s3, s9;
	s6 =	sadd.s32 @!p0 $0x88, s6;
	s7 =	simm.s32 @p2 $0x1082  }
0x22: {  	[simem:s7], [sflag:s8] =	dma.local @!p0 [hbm:s6], $0xF7A  }
0x23: {  	s9 =	sor.u32 $0xD0000000, s2;
	s6 =	simm.s32 $0x108;
	_ =	swait.ge @!p0 [sflag:s8], $0x0  }
0x24: {  	s3 =	sadd.s32 $0x88, s3;
	s6 =	simm.s32 @!p1 $0x1082;
	[sflag:s4] =	ssyncset.s32 $0xFFFFF086  }
0x25: {  	[simem:s6], [sflag:s4] =	dma.local [hbm:s3], $0xF7A  }
0x26: {  	[smem:$0x3F83] =	sst s1;
	(tag) =	ssettag s2;
	_ =	strace s9  }
0x27: {  	s1 =	sld [smem:$0x3F93]  }
0x28: {  	s2 =	sld [smem:$0x3F94]  }
0x29: {  	s4 =	sld [smem:$0x3F96]  }
0x2a: {  	p0 =	seq.s32 s5, $0x0;
	s5 =	sld [smem:$0x3F97]  }
0x2b: {  	s6 =	sld [smem:$0x3F98]  }
0x2c: {  	s7 =	sld [smem:$0x3F99]  }
0x2d: {  	s3 =	simm.s32 $0x108;
	s8 =	sld [smem:$0x3F9A]  }
0x2e: {  	s3 =	simm.s32 @!p0 $0x1082;
	s9 =	sld [smem:$0x3F9B]  }
0x2f: {  	lr =	sadd.s32 s0, s3;
	s0 =	sld [smem:$0x3F92]  }
0x30: {  	s3 =	sld [smem:$0x3F95]  }
0x31: {  	[smem:$0x3F9E] =	sst s10  }
0x32: {  	s10 =	sld [smem:$0x3F9C];
	_ =	sdelay $0x3  }
0x33: {  	p0 =	seq.s32 s10, $0x1;
	s10 =	sld [smem:$0x3F9E];
	_ =	sdelay $0x3  }
0x34: {  	[smem:$0x3F9E] =	sst s10  }
0x35: {  	s10 =	sld [smem:$0x3F9D];
	_ =	sdelay $0x3  }
0x36: {  	p1 =	seq.s32 s10, $0x1;
	s10 =	sld [smem:$0x3F9E];
	_ =	sdelay $0x3  }
0x37: {  	[smem:$0x3F9E] =	sst s10  }
0x38: {  	s10 =	sld [smem:$0x3F9F]  }
0x39: {  	_ = 	snop;
	(pc) =	sbr.ind lr, $3  }
0x3a: {  	_ = 	snop  }
0x3b: {  	_ = 	snop  }
0x3c: {  	p2 =	seq.s32 s10, $0x1;
	s10 =	sld [smem:$0x3F9E]  }
0x3d: {  	_ =	shalt  }
0x3e: {  	_ =	shalt  }
0x3f: {  	_ =	shalt  }
0x40: {  	_ =	shalt  }
0x41: {  	_ =	shalt  }
0x42: {  	_ =	shalt  }
0x43: {  	_ =	shalt  }
0x44: {  	_ =	shalt  }
0x45: {  	_ =	shalt  }
0x46: {  	_ =	shalt  }
0x47: {  	_ =	shalt  }
0x48: {  	_ =	shalt  }
0x49: {  	_ =	shalt  }
0x4a: {  	_ =	shalt  }
0x4b: {  	_ =	shalt  }
0x4c: {  	_ =	shalt  }
0x4d: {  	_ =	shalt  }
0x4e: {  	_ =	shalt  }
0x4f: {  	_ =	shalt  }
0x50: {  	_ =	shalt  }
0x51: {  	_ =	shalt  }
0x52: {  	_ =	shalt  }
0x53: {  	_ =	shalt  }
0x54: {  	_ =	shalt  }
0x55: {  	_ =	shalt  }
0x56: {  	_ =	shalt  }
0x57: {  	_ =	shalt  }
0x58: {  	_ =	shalt  }
0x59: {  	_ =	shalt  }
0x5a: {  	_ =	shalt  }
0x5b: {  	_ =	shalt  }
0x5c: {  	_ =	shalt  }
0x5d: {  	_ =	shalt  }
0x5e: {  	_ =	shalt  }
0x5f: {  	_ =	shalt  }
0x60: {  	_ =	shalt  }
0x61: {  	_ =	shalt  }
0x62: {  	_ =	shalt  }
0x63: {  	_ =	shalt  }
0x64: {  	_ =	shalt  }
0x65: {  	_ =	shalt  }
0x66: {  	_ =	shalt  }
0x67: {  	_ =	shalt  }
0x68: {  	_ =	shalt  }
0x69: {  	_ =	shalt  }
0x6a: {  	_ =	shalt  }
0x6b: {  	_ =	shalt  }
0x6c: {  	_ =	shalt  }
0x6d: {  	_ =	shalt  }
0x6e: {  	_ =	shalt  }
0x6f: {  	_ =	shalt  }
0x70: {  	_ =	shalt  }
0x71: {  	_ =	shalt  }
0x72: {  	_ =	shalt  }
0x73: {  	_ =	shalt  }
0x74: {  	_ =	shalt  }
0x75: {  	_ =	shalt  }
0x76: {  	_ =	shalt  }
0x77: {  	_ =	shalt  }
0x78: {  	_ =	shalt  }
0x79: {  	_ =	shalt  }
0x7a: {  	_ =	shalt  }
0x7b: {  	_ =	shalt  }
0x7c: {  	_ =	shalt  }
0x7d: {  	_ =	shalt  }
0x7e: {  	_ =	shalt  }
0x7f: {  	_ =	shalt  }
0x80: {  	_ =	shalt  }
0x81: {  	_ =	shalt  }
0x82: {  	_ =	shalt  }
0x83: {  	_ =	shalt  }
0x84: {  	_ =	shalt  }
0x85: {  	_ =	shalt  }
0x86: {  	_ =	shalt  }
0x87: {  	_ =	shalt  }
.Lfunc_end0:
.L_simem_size_0:
called_computation_lowered:
.L_overlay_start_0:
0x88: {  	s2 =	sld [smem:$0x3FD9]  }
0x89: {  	s3 =	sld [smem:$0x3FFE];
	_ =	sdelay $0x1  }
0x8a: {  	s1 =	srdreg.scid  }
0x8b: {  	s0 =	sand.u32 $0x1, s1  }
0x8c: {  	s15 =	sshll.u32 s0, $0xA;
	s2 =	sadd.s32 s3, s2  }
0x8d: {  	s2 =	sadd.s32 s2, s15  }
0x8e: {  	[smem:$0x3FAA] =	sst s2  }
0x8f: {  	_ = 	snop  }
0x90: {  	s2 =	sld [smem:$0x3FD0];
	_ =	sdelay $0x2  }
0x91: {  	s4 =	simm.s32 $0xA;
	s5 =	simm.s32 $0x10;
	s16 =	sld [smem:$0x3FC8]  }
0x92: {  	[smem:s5], [sflag:s4] =	dma.local [hbm:s2], $0x1  }
0x93: {  	_ =	swait.eq [sflag:s4], $0x1  }
0x94: {  	[sflag:s4] =	ssyncset.done $0x0  }
0x95: {  	s17 =	sld [smem:$0x10];
	[sflag:s4] =	ssyncadd.s32 $0xFFFFFFFF  }
0x96: {  	s18 =	sld [smem:$0x12];
	(tm) =	ssettm $0x1  }
0x97: {  	s19 =	sld [smem:$0x3FFB];
	_ =	sdelay $0x3  }
0x98: {  	_ =	strace s19  }
0x99: {  	s5 =	sld [smem:$0x3FFC];
	_ =	sdelay $0x3  }
0x9a: {  	_ =	strace s5  }
0x9b: {  	s5 =	sld [smem:$0x3FFD];
	_ =	sdelay $0x3  }
0x9c: {  	_ =	strace s5  }
0x9d: {  	_ =	strace $0x8FFFFFFF  }
0x9e: {  	s20 =	sld [smem:$0x3FDB];
	_ =	sdelay $0x1  }
0x9f: {  	s6 =	simm.s32 $_scs_section_size  }
0xa0: {  	s7 =	simm.s32 $_size__tile_overlayer_lowered;
	s8 =	simm.s32 $_tile_overlayer_lowered  }
0xa1: {  	s23 =	simm.s32 $0x1BFF;
	s22 =	sshll.u32 s8, $0x1;
	s5 =	sadd.s32 s6, s20  }
0xa2: {  	s9 =	simm.s32 $0x0;
	s21 =	sshll.u32 s7, $0x1;
	s7 =	sadd.s32 s22, s5  }
0xa3: {  	[timem:s9], [sflag:s23] =	dma.local [hbm:s7], s21  }
0xa4: {  	_ =	swait.ge [sflag:s23], s21  }
0xa5: {  	s6 =	ssub.s32 $0x0, s21;
	[sflag:s23] =	ssyncset.done $0x0  }
0xa6: {  	[sflag:s23] =	ssyncadd.s32 s6;
	_ =	sdelay $0x1  }
0xa7: {  	s24 =	simm.s32 $0x1B8B  }
0xa8: {  	_ =	swait.ge [sflag:s24], $0x1  }
0xa9: {  	[sflag:s24] =	ssyncset.done $0x0  }
0xaa: {  	s25 =	simm.s32 $0x1B8E;
	[sflag:s24] =	ssyncadd.s32 $0xFFFFFFFF  }
0xab: {  	s26 =	simm.s32 $execute0_lowered;
	[smem:$0x3FD2] =	sst s25  }
0xac: {  	s6 =	sshll.u32 s26, $0x1;
	_ =	strace $0x80000046;
	[dreg:$0x1] =	wrdreg $0xFFFFFFFF  }
0xad: {  	s28 =	simm.s32 $_size_execute0_lowered;
	s5 =	sadd.s32 s5, s6;
	[dreg:$0x0] =	wrdreg $0x0  }
0xae: {  	s6 =	sshll.u32 s28, $0x1;
	[dreg:$0x2] =	wrdreg s5  }
0xaf: {  	[dreg:$0x3] =	wrdreg s6  }
0xb0: {  	[dreg:$0x4] =	wrdreg $0xC0  }
0xb1: {  	_ =	task [dreg:s9], $0x5FFFF  }
0xb2: {  	[dreg:$0x1] =	wrdreg $0xFFFFFFFF  }
0xb3: {  	[dreg:$0x0] =	wrdreg $0x60  }
0xb4: {  	[dreg:$0x2] =	wrdreg s16  }
0xb5: {  	[dreg:$0x3] =	wrdreg s17  }
0xb6: {  	[dreg:$0x4] =	wrdreg s18  }
0xb7: {  	[dreg:$0x5] =	wrdreg $0x9  }
0xb8: {  	_ =	task.clear_ibuf [dreg:s9], $0x6FFFF;
	_ =	strace $0x90000046  }
0xb9: {  	s29 =	simm.s32 $0x9;
	_ =	strace $0x80000048  }
0xba: {  	_ =	swait.ge [sflag:s29], $0x1  }
0xbb: {  	[sflag:s29] =	ssyncadd.s32 $0xFFFFFFFF  }
0xbc: {  	_ =	strace $0x90000048  }
0xbd: {  	_ =	sfence  }
0xbe: {  	s30 =	sld [smem:$0x0];
	_ =	sdelay $0x2  }
0xbf: {  	s31 =	sshll.u32 s1, $0xD;
	s1 =	sshrl.u32 s1, $0x2  }
0xc0: {  	s3 =	sand.u32 $0x4000, s31;
	s1 =	sadd.s32 s1, s30  }
0xc1: {  	s0 =	sor.u32 s3, s0;
	s1 =	sshll.u32 s1, $0x11  }
0xc2: {  	s0 =	sor.u32 s1, s0  }
0xc3: {  	s0 =	sadd.s32 $0x8F2B, s0  }
0xc4: {  	[sflag:s0] =	ssyncadd.remote.s32 $0x1  }
0xc5: {  	_ =	sfence.sel $0xFFFF  }
0xc6: {  	[dreg:$0x0] =	wrdreg $0xFFFFFFFF;
	(pc) =	sbr.abs _section_cstart, $3  }
0xc7: {  	[dreg:$0x1] =	wrdreg $0xFFFFFFFF  }
0xc8: {  	_ =	task.clear_ibuf [dreg:s9], $0x2FFFF;
	_ =	strace $0x9FFFFFFF  }
0xc9: {  	(tm) =	ssettm $0x7FFFFFFF  }
tec
execute0_lowered:
.L_overlay_start_1:
0x0: {  	(tag) =	ssettag $0x1  }
0x1: {  	s1 =	rddreg [dreg:$0x0]  }
0x2: {  	s4 =	rddreg [dreg:$0x1]  }
0x3: {  	s5 =	rddreg [dreg:$0x2]  }
0x4: {  	s3 =	srdreg.scid;
	s0 =	rddreg [dreg:$0x3];
	s2 =	simm.s32 $0x0  }
0x5: {  	s13 =	simm.s32 $0x2880;
	s14 =	simm.s32 $0x3080;
	s15 =	simm.s32 $0x3880  }
0x6: {  	s16 =	simm.s32 $0x1;
	s6 =	sand.u32 $0x1, s3;
	[smem:$0x7FF] =	sst s2  }
0x7: {  	s3 =	stileid.u32;
	s7 =	ssub.s32 $0x2, s6;
	_ =	strace $0x80000047  }
0x8: {  	s30 =	sshrl.u32 s3, $0x3;
	s9 =	sshll.u32 s3, $0x5;
	s10 =	sshll.u32 s6, $0x3  }
0x9: {  	s11 =	sshll.u32 s3, $0x1;
	s8 =	sshrl.u32 s7, $0x1;
	s9 =	sand.u32 $0xE0, s9  }
0xa: {  	s12 =	sshll.u32 s30, $0x4;
	s4 =	sadd.s32 s4, s10;
	s31 =	sand.u32 $0xE, s11  }
0xb: {  	s10 =	simm.s32 $0x1080;
	s11 =	simm.s32 $0x1880;
	s7 =	ssub.s32 s7, s8  }
0xc: {  	s4 =	sadd.s32 s12, s4;
	s6 =	sor.u32 s6, s31;
	s8 =	sshll.u32 s30, $0xF  }
0xd: {  	v2 =	vlaneseq.u32;
	s12 =	simm.s32 $0x2080;
	s4 =	sadd.s32 s9, s4;
	s6 =	sshll.u32 s6, $0xB  }
0xe: {  	vm0 =	vmmov $0xffff;
	v1 =	vshrl.u32 v2, $0x3;
	s5 =	sadd.s32 s5, s8;
	s8 =	simm.s32 $0x80;
	s9 =	simm.s32 $0x880  }
0xf: {  	v0 =	vand.u32 $0x7, v2;
	v2 =	vor.u32 $0x8, v2;
	v1 =	vmul.u32 $0x8, v1;
	s5 =	sadd.s32 s6, s5;
	s6 =	smax.u32 s7, $0x1;
	s7 =	simm.s32 $0x2  }
.LBB2_1:
0x10: {  	[tilespmem:s2], [sflag:$0x2] =	stream.linear.gather [hbm4b:s4+s2], $0x40, $0x38;
	[tilespmem:$0x4080] =	vst v63  }
0x11: {  	_ =	swait.ge [sflag:s7], $0x40  }
0x12: {  	[sflag:s7] =	ssyncset.done $0x0  }
0x13: {  	[sflag:s7] =	ssyncadd.s32 $0xFFFFFFC0  }
0x14: {  	v3 =	vld [tilespmem:$0x0];
	_ =	sdelay $0x4  }
0x15: {  	v4 =	vshll.u32 v3, $0x1  }
0x16: {  	v3 =	vand.u32 $0x7, v3;
	v4 =	vand.u32 $0xFFFFFFF0, v4  }
0x17: {  	v3 =	vor.u32 v3, v4  }
0x18: {  	v4 =	vperm.xlane v3, v0;
	_ =	sdelay $0x1  }
0x19: {  	v3 =	vperm.xlane v3, v2;
	v4 =	vadd.s32 v1, v4;
	_ =	sdelay $0x1  }
0x1a: {  	v3 =	vadd.s32 v1, v3;
	_ =	sdelay $0x2  }
0x1b: {  	[tilespmem:s8], [sflag:$0x1] =	stream.indirect_vreg.gather [hbm4b:s1+s2], $0x80, v4, vm0, $0xb8;
	[tilespmem:$0x4080] =	vst v63  }
0x1c: {  	_ = 	snop  }
0x1d: {  	[tilespmem:s9], [sflag:$0x1] =	stream.indirect_vreg.gather [hbm4b:s1+s2], $0x80, v3, vm0, $0xb8;
	[tilespmem:$0x4080] =	vst v63  }
0x1e: {  	v3 =	vld [tilespmem:$0x10];
	_ =	sdelay $0x4  }
0x1f: {  	v61 =	vshll.u32 v3, $0x1  }
0x20: {  	v3 =	vand.u32 $0x7, v3;
	v4 =	vand.u32 $0xFFFFFFF0, v61  }
0x21: {  	v3 =	vor.u32 v3, v4  }
0x22: {  	v4 =	vperm.xlane v3, v0;
	_ =	sdelay $0x1  }
0x23: {  	v3 =	vperm.xlane v3, v2;
	v4 =	vadd.s32 v1, v4;
	_ =	sdelay $0x1  }
0x24: {  	v3 =	vadd.s32 v1, v3;
	_ =	sdelay $0x2  }
0x25: {  	[tilespmem:s10], [sflag:$0x1] =	stream.indirect_vreg.gather [hbm4b:s1+s2], $0x80, v4, vm0, $0xb8;
	[tilespmem:$0x4080] =	vst v63  }
0x26: {  	_ = 	snop  }
0x27: {  	[tilespmem:s11], [sflag:$0x1] =	stream.indirect_vreg.gather [hbm4b:s1+s2], $0x80, v3, vm0, $0xb8;
	[tilespmem:$0x4080] =	vst v63  }
0x28: {  	v3 =	vld [tilespmem:$0x20];
	_ =	sdelay $0x4  }
0x29: {  	v62 =	vshll.u32 v3, $0x1  }
0x2a: {  	v3 =	vand.u32 $0x7, v3;
	v4 =	vand.u32 $0xFFFFFFF0, v62  }
0x2b: {  	v3 =	vor.u32 v3, v4  }
0x2c: {  	v4 =	vperm.xlane v3, v0;
	_ =	sdelay $0x1  }
0x2d: {  	v3 =	vperm.xlane v3, v2;
	v4 =	vadd.s32 v1, v4;
	_ =	sdelay $0x1  }
0x2e: {  	v3 =	vadd.s32 v1, v3;
	_ =	sdelay $0x2  }
0x2f: {  	[tilespmem:s12], [sflag:$0x1] =	stream.indirect_vreg.gather [hbm4b:s1+s2], $0x80, v4, vm0, $0xb8;
	[tilespmem:$0x4080] =	vst v63  }
0x30: {  	_ = 	snop  }
0x31: {  	[tilespmem:s13], [sflag:$0x1] =	stream.indirect_vreg.gather [hbm4b:s1+s2], $0x80, v3, vm0, $0xb8;
	[tilespmem:$0x4080] =	vst v63  }
0x32: {  	v3 =	vld [tilespmem:$0x30];
	_ =	sdelay $0x4  }
0x33: {  	v63 =	vshll.u32 v3, $0x1  }
0x34: {  	v3 =	vand.u32 $0x7, v3;
	v4 =	vand.u32 $0xFFFFFFF0, v63  }
0x35: {  	v3 =	vor.u32 v3, v4  }
0x36: {  	v4 =	vperm.xlane v3, v0;
	_ =	sdelay $0x1  }
0x37: {  	v3 =	vperm.xlane v3, v2;
	v4 =	vadd.s32 v1, v4;
	_ =	sdelay $0x1  }
0x38: {  	v3 =	vadd.s32 v1, v3;
	_ =	sdelay $0x2  }
0x39: {  	[tilespmem:s14], [sflag:$0x1] =	stream.indirect_vreg.gather [hbm4b:s1+s2], $0x80, v4, vm0, $0xb8;
	[tilespmem:$0x4080] =	vst v63  }
0x3a: {  	_ = 	snop  }
0x3b: {  	[tilespmem:s15], [sflag:$0x1] =	stream.indirect_vreg.gather [hbm4b:s1+s2], $0x80, v3, vm0, $0xb8;
	[tilespmem:$0x4080] =	vst v63  }
0x3c: {  	_ =	swait.ge [sflag:s16], $0x4000  }
0x3d: {  	p0 =	sne.s32 s6, $0x1;
	[sflag:s16] =	ssyncset.done $0x0  }
.Ltmp0:
0x3e: {  	[sflag:s16] =	ssyncadd.s32 $0xFFFFC000;
	(pc) =	sbr.rel @p0 .LBB2_1-.Ltmp0, $4  }
0x3f: {  	[hbm4b:s5+s2] =	stream.linear.scatter [tilespmem:s8], [sflag:$0x2], $0x4000, $0x38;
	[tilespmem:$0x4080] =	vst v63  }
0x40: {  	_ =	swait.ge [sflag:s7], $0x4000  }
0x41: {  	[sflag:s7] =	ssyncset.done $0x0  }
0x42: {  	s6 =	sadd.s32 $0xFFFFFFFF, s6;
	[sflag:s7] =	ssyncadd.s32 $0xFFFFC000  }
0x43: {  	_ =	sfence.sel $0x180000  }
0x44: {  	[bflag:$0x0] =	sbarrier.arrive $0xFFFF  }
0x45: {  	p0 =	sne.s32 s3, $0x0;
	_ =	strace $0x90000047  }
0x46: {  	s0 =	sadd.s32 @!p0 $0x100000, s0;
	[bflag:$0x2] =	sbarrier.arrive $0xFFFF  }
0x47: {  	[sflag:s0] =	ssyncadd.tile.s32 @!p0 $0x1;
	_ =	shalt  }
.Lfunc_end2:
_tile_overlayer_lowered:
.L_overlay_start_2:
0x48: {  	(tag) =	ssettag $0x2  }
0x49: {  	s0 =	rddreg [dreg:$0x0];
	s2 =	stileid.u32  }
0x4a: {  	s1 =	rddreg [dreg:$0x1];
	p0 =	sne.s32 s2, $0x0  }
0x4b: {  	s3 =	rddreg [dreg:$0x2];
	[bflag:$0x3] =	sbarrier.arrive $0xFFFF;
	s2 =	simm.s32 @!p0 $0x1C02  }
0x4c: {  	[timem:s3], [sflag:s2] =	dma.local @!p0 [hbm:s0], s1  }
0x4d: {  	s0 =	simm.s32 @!p0 $0x2  }
0x4e: {  	_ =	swait.ge @!p0 [sflag:s0], s1  }
0x4f: {  	s1 =	ssub.s32 @!p0 $0x0, s1;
	[sflag:s0] =	ssyncset.done @!p0 $0x0  }
0x50: {  	[sflag:s0] =	ssyncadd.s32 @!p0 s1  }
0x51: {  	[bflag:$0x3] =	sbarrier.arrive $0xFFFF  }
0x52: {  	_ =	shalt  }

</sc_bundles>
